<compile_context>
chip_gen: v7x
topology: tpu7x:2x2x1
jax: 0.10.2.dev20260603
libtpu: 0.0.44.dev20260713+nightly
codegen_flags: <defaults>
</compile_context>

<pallas_src>
import functools

import jax
import jax.numpy as jnp
from jax import lax
from jax.experimental import pallas as pl
from jax.experimental.pallas import tpu as pltpu
from jax.experimental.pallas import tpu_sc as plsc

_N = 10000
_E = 320000
_F = 128
_G = 64

_NC = 2
_NS = 16
_NW = _NC * _NS
_K = 128
_C = 80
_EPT = _C * _K
_EPAD = _NW * _EPT
_TBL = 10112
_RPT = _TBL // _NS

_mesh = plsc.VectorSubcoreMesh(core_axis_name="c", subcore_axis_name="s")



def _make_scatter(width):

    @functools.partial(
        pl.kernel,
        out_type=jax.ShapeDtypeStruct((_NC, _TBL, width), jnp.float32),
        mesh=_mesh,
        scratch_types=[
            pltpu.VMEM((_K,), jnp.int32),
            pltpu.VMEM((_K,), jnp.int32),
            pltpu.VMEM((_C, _K), jnp.int32),
            pltpu.VMEM((_K, width), jnp.float32),
            pltpu.VMEM((_K, width), jnp.float32),
            pltpu.VMEM_SHARED((_TBL, width), jnp.float32),
            pltpu.SemaphoreType.DMA,
        ],
    )
    def _scat(src_hbm, dst_hbm, hs_hbm, zeros_hbm, out_hbm,
              idx1a, idx1b, idst_v, rows_a, rows_b, acc_sp, sem):
        c = lax.axis_index("c")
        s = lax.axis_index("s")
        wid = c * _NS + s
        base = wid * _EPT
        pltpu.sync_copy(dst_hbm.at[pl.ds(wid * _C, _C)], idst_v)
        pltpu.sync_copy(zeros_hbm.at[pl.ds(s * _RPT, _RPT)],
                        acc_sp.at[pl.ds(s * _RPT, _RPT)])
        plsc.subcore_barrier()

        pltpu.sync_copy(src_hbm.at[pl.ds(base, _K)], idx1a)
        pltpu.async_copy(hs_hbm.at[idx1a], rows_a, sem)

        def body(j2, carry):
            j = 2 * j2
            pltpu.sync_copy(src_hbm.at[pl.ds(base + (j + 1) * _K, _K)], idx1b)
            pltpu.make_async_copy(hs_hbm.at[idx1a], rows_a, sem).wait()
            pltpu.async_copy(hs_hbm.at[idx1b], rows_b, sem)
            pltpu.sync_copy(rows_a, acc_sp.at[idst_v.at[j]], add=True)

            @pl.when(j2 < _C // 2 - 1)
            def _():
                pltpu.sync_copy(src_hbm.at[pl.ds(base + (j + 2) * _K, _K)],
                                idx1a)
            pltpu.make_async_copy(hs_hbm.at[idx1b], rows_b, sem).wait()

            @pl.when(j2 < _C // 2 - 1)
            def _():
                pltpu.async_copy(hs_hbm.at[idx1a], rows_a, sem)
            pltpu.sync_copy(rows_b, acc_sp.at[idst_v.at[j + 1]], add=True)
            return carry

        lax.fori_loop(0, _C // 2, body, 0)
        plsc.subcore_barrier()
        pltpu.sync_copy(acc_sp.at[pl.ds(s * _RPT, _RPT)],
                        out_hbm.at[c, pl.ds(s * _RPT, _RPT)])

    return _scat


_sc_scatter = _make_scatter(_F)



def _dinv_body(degs_ref, out_ref):
    d = degs_ref[0, :, 0:1] + degs_ref[1, :, 0:1] + 1.0
    out_ref[...] = jnp.broadcast_to(lax.rsqrt(d), (_TBL, _F))


def _tc_dinv(degs):
    return pl.pallas_call(
        _dinv_body,
        out_shape=jax.ShapeDtypeStruct((_TBL, _F), jnp.float32),
    )(degs)


_BR = 1000


def _mm_body(x_ref, dinv_ref, w_ref, out_ref):
    out_ref[...] = dinv_ref[...] * jnp.dot(
        x_ref[...], w_ref[...], preferred_element_type=jnp.float32)


def _tc_mm(x, dinv, w):
    return pl.pallas_call(
        _mm_body,
        grid=(_N // _BR,),
        in_specs=[
            pl.BlockSpec((_BR, _F), lambda i: (i, 0)),
            pl.BlockSpec((_BR, _F), lambda i: (i, 0)),
            pl.BlockSpec((_F, _F), lambda i: (0, 0)),
        ],
        out_specs=pl.BlockSpec((_BR, _F), lambda i: (i, 0)),
        out_shape=jax.ShapeDtypeStruct((_N, _F), jnp.float32),
    )(x, dinv, w)


def _mid_body(a0_ref, a1_ref, hs_ref, dinv_ref, b_ref, w_ref, out_ref):
    h = a0_ref[...] + a1_ref[...] + hs_ref[...]
    h = jnp.maximum(dinv_ref[...] * h + b_ref[...], 0.0)
    out_ref[...] = dinv_ref[...] * jnp.dot(
        h, w_ref[...], preferred_element_type=jnp.float32)


def _tc_mid(a0, a1, hs, dinv, b, w):
    blk = pl.BlockSpec((_BR, _F), lambda i: (i, 0))
    return pl.pallas_call(
        _mid_body,
        grid=(_N // _BR,),
        in_specs=[blk, blk, blk, blk,
                  pl.BlockSpec((1, _F), lambda i: (0, 0)),
                  pl.BlockSpec((_F, _F), lambda i: (0, 0))],
        out_specs=blk,
        out_shape=jax.ShapeDtypeStruct((_N, _F), jnp.float32),
    )(a0, a1, hs, dinv, b, w)


def _final_body(a0_ref, a1_ref, hs_ref, dinv_ref, b_ref, batch_ref,
                wh1_ref, bh1_ref, wh2_ref, bh2_ref, out_ref,
                sums_s, cnt_s):
    i = pl.program_id(0)

    @pl.when(i == 0)
    def _():
        sums_s[...] = jnp.zeros_like(sums_s)
        cnt_s[...] = jnp.zeros_like(cnt_s)

    h = a0_ref[...] + a1_ref[...] + hs_ref[...]
    h = jnp.maximum(dinv_ref[...] * h + b_ref[...], 0.0)
    b_row = batch_ref[0]
    gid = lax.broadcasted_iota(jnp.int32, (_G, _BR), 0)
    onehot = (gid == b_row).astype(jnp.float32)
    sums_s[...] += jnp.dot(onehot, h, preferred_element_type=jnp.float32)
    cnt = jnp.sum(onehot, axis=1, keepdims=True)
    cnt_s[...] += jnp.broadcast_to(cnt, (_G, _F))

    @pl.when(i == _N // _BR - 1)
    def _():
        g = sums_s[...] / jnp.maximum(cnt_s[...], 1.0)
        z = jnp.maximum(
            jnp.dot(g, wh1_ref[...], preferred_element_type=jnp.float32)
            + bh1_ref[...], 0.0)
        out_ref[...] = jnp.dot(
            z, wh2_ref[...], preferred_element_type=jnp.float32) + bh2_ref[...]


def _tc_final(a0, a1, hs, dinv, b, batch3d, wh1, bh1, wh2, bh2):
    blk = pl.BlockSpec((_BR, _F), lambda i: (i, 0))
    return pl.pallas_call(
        _final_body,
        grid=(_N // _BR,),
        in_specs=[blk, blk, blk, blk,
                  pl.BlockSpec((1, _F), lambda i: (0, 0)),
                  pl.BlockSpec((1, 1, _BR), lambda i: (i, 0, 0)),
                  pl.BlockSpec((_F, _F), lambda i: (0, 0)),
                  pl.BlockSpec((1, _F), lambda i: (0, 0)),
                  pl.BlockSpec((_F, _G), lambda i: (0, 0)),
                  pl.BlockSpec((1, _G), lambda i: (0, 0))],
        out_specs=pl.BlockSpec((_G, _G), lambda i: (0, 0)),
        out_shape=jax.ShapeDtypeStruct((_G, _G), jnp.float32),
        scratch_shapes=[pltpu.VMEM((_G, _F), jnp.float32),
                        pltpu.VMEM((_G, _F), jnp.float32)],
    )(a0, a1, hs, dinv, b, batch3d, wh1, bh1, wh2, bh2)



def kernel(x, edge_index, batch, W1, b1, W2, b2, Wh1, bh1, Wh2, bh2):
    pad = _EPAD - _E
    src2d = jnp.concatenate(
        [edge_index[0], jnp.zeros((pad,), jnp.int32)]).reshape(_NW * _C, _K)
    dst2d = jnp.concatenate(
        [edge_index[1], jnp.full((pad,), _N, jnp.int32)]).reshape(_NW * _C, _K)
    zerosF = jnp.zeros((_TBL, _F), jnp.float32)
    batch3d = batch.reshape(_N // _BR, 1, _BR)

    onesF = jnp.ones((_N, _F), jnp.float32)
    dacc = _sc_scatter(src2d.reshape(-1), dst2d, onesF, zerosF)
    degs = dacc[:, :, :16]
    dinv = _tc_dinv(degs)[:_N]

    hs1 = _tc_mm(x, dinv, W1)
    acc1 = _sc_scatter(src2d.reshape(-1), dst2d, hs1, zerosF)
    hs2 = _tc_mid(acc1[0, :_N], acc1[1, :_N], hs1, dinv,
                  b1.reshape(1, _F), W2)
    acc2 = _sc_scatter(src2d.reshape(-1), dst2d, hs2, zerosF)
    return _tc_final(acc2[0, :_N], acc2[1, :_N], hs2, dinv,
                     b2.reshape(1, _F), batch3d,
                     Wh1, bh1.reshape(1, _F), Wh2, bh2.reshape(1, _G))

# --- scband reference (transcript-rebuilt; emitter-appended) ---
"""Pipeline reference for scband-demo-graph-net-32830730011147 (READ-ONLY COPY).

The authoritative reference and input builder live on the scoring server;
editing this copy changes nothing except your own understanding.
"""

import jax, jax.numpy as jnp
import numpy as np

N_NODES = 10000
N_EDGES = 320000
IN_CH = 128
HID_CH = 128
OUT_CH = 64
N_GRAPHS = 64


def setup_inputs(seed: int = 0) -> dict:
    key = jax.random.key(seed)
    ks = jax.random.split(key, 12)
    x = jax.random.normal(ks[0], (N_NODES, IN_CH), dtype=jnp.float32)
    edge_index = jax.random.randint(ks[1], (2, N_EDGES), 0, N_NODES, dtype=jnp.int64 if jax.config.jax_enable_x64 else jnp.int32).astype(jnp.int32)
    batch = jnp.sort(jax.random.randint(ks[2], (N_NODES,), 0, N_GRAPHS)).astype(jnp.int32)
    def glorot(k, shape):
        lim = jnp.sqrt(6.0 / (shape[0] + shape[1]))
        return jax.random.uniform(k, shape, dtype=jnp.float32, minval=-lim, maxval=lim)
    W1 = glorot(ks[3], (IN_CH, HID_CH))
    b1 = jnp.zeros((HID_CH,), dtype=jnp.float32)
    W2 = glorot(ks[4], (HID_CH, HID_CH))
    b2 = jnp.zeros((HID_CH,), dtype=jnp.float32)
    Wh1 = glorot(ks[5], (HID_CH, HID_CH))
    bh1 = jnp.zeros((HID_CH,), dtype=jnp.float32)
    Wh2 = glorot(ks[6], (HID_CH, OUT_CH))
    bh2 = jnp.zeros((OUT_CH,), dtype=jnp.float32)
    return {"x": x, "edge_index": edge_index, "batch": batch,
            "W1": W1, "b1": b1, "W2": W2, "b2": b2,
            "Wh1": Wh1, "bh1": bh1, "Wh2": Wh2, "bh2": bh2}


def _gcn_conv(x, edge_index, W, b, num_nodes):
    # x' = D^{-1/2} (A + I) D^{-1/2} X W + b  (PyG GCNConv, add_self_loops=True)
    h = x @ W
    loop = jnp.arange(num_nodes, dtype=edge_index.dtype)
    src = jnp.concatenate([edge_index[0], loop])
    dst = jnp.concatenate([edge_index[1], loop])
    deg = jnp.zeros((num_nodes,), dtype=h.dtype).at[dst].add(1.0)
    deg_inv_sqrt = jnp.where(deg > 0, jax.lax.rsqrt(jnp.maximum(deg, 1e-12)), 0.0)
    norm = deg_inv_sqrt[src] * deg_inv_sqrt[dst]
    msgs = norm[:, None] * jnp.take(h, src, axis=0)
    out = jnp.zeros((num_nodes, h.shape[1]), dtype=h.dtype).at[dst].add(msgs)
    return out + b


def _global_mean_pool(x, batch, num_graphs):
    sums = jax.ops.segment_sum(x, batch, num_segments=num_graphs)
    counts = jax.ops.segment_sum(jnp.ones((x.shape[0],), dtype=x.dtype), batch, num_segments=num_graphs)
    return sums / jnp.maximum(counts, 1.0)[:, None]


def reference(x, edge_index, batch, W1, b1, W2, b2, Wh1, bh1, Wh2, bh2):
    h = _gcn_conv(x, edge_index, W1, b1, N_NODES)
    h = jax.nn.relu(h)
    h = _gcn_conv(h, edge_index, W2, b2, N_NODES)
    h = jax.nn.relu(h)
    g = _global_mean_pool(h, batch, N_GRAPHS)
    g = jax.nn.relu(g @ Wh1 + bh1)
    return g @ Wh2 + bh2

if __name__ == "__main__":
    import jax
    _d = setup_inputs()
    print(jax.jit(kernel)(*tuple(_d.values())))

</pallas_src>

<mosaic_0001>
#map = affine_map<(d0, d1) -> (0)>
#map1 = affine_map<(d0, d1) -> (0, 0)>
#map2 = affine_map<(d0, d1) -> (0, 0, 0)>
module attributes {stable_mosaic.version = 14 : i64} {
  func.func @_scat(%arg0: i32, %arg1: i32, %arg2: memref<327680xi32, #tpu.memory_space<hbm>>, %arg3: memref<2560x128xi32, #tpu.memory_space<hbm>>, %arg4: memref<10000x128xf32, #tpu.memory_space<hbm>>, %arg5: memref<10112x128xf32, #tpu.memory_space<hbm>>, %arg6: memref<2x10112x128xf32, #tpu.memory_space<hbm>>, %arg7: memref<128xi32, #tpu.memory_space<vmem>>, %arg8: memref<128xi32, #tpu.memory_space<vmem>>, %arg9: memref<80x128xi32, #tpu.memory_space<vmem>>, %arg10: memref<128x128xf32, #tpu.memory_space<vmem>>, %arg11: memref<128x128xf32, #tpu.memory_space<vmem>>, %arg12: memref<10112x128xf32, #tpu.memory_space<vmem_shared>>, %arg13: memref<!tpu.dma_semaphore, #tpu.memory_space<semaphore_mem>>) attributes {dimension_semantics = [#tpu.dimension_semantics<core_parallel>, #tpu.dimension_semantics<subcore_parallel>], iteration_bounds = array<i64: 2, 16>, scalar_prefetch = 0 : i64, scratch_operands = 7 : i64, tpu.core_type = #tpu.core_type<sc_vector_subcore>, window_params = [{transform_indices = #map}, {transform_indices = #map1}, {transform_indices = #map1}, {transform_indices = #map1}, {transform_indices = #map2}]} {
    %mul3A = arith.constant 16 : i32
    %mul3A_0 = arith.muli %arg0, %mul3A : i32
    %add3A = arith.addi %mul3A_0, %arg1 : i32
    %mul3A_1 = arith.constant 10240 : i32
    %mul3A_2 = arith.muli %add3A, %mul3A_1 : i32
    %mul3A_3 = arith.constant 80 : i32
    %mul3A_4 = arith.muli %add3A, %mul3A_3 : i32
    "tpu.region"() ({
      %run_scoped3A = tpu.sem_alloc : memref<!tpu.dma_semaphore, #tpu.memory_space<semaphore_mem>>
      %dma_start3A_21 = arith.constant 0 : i32
      %dma_start3A_22 = tpu.memref_slice %arg3[%mul3A_4, %dma_start3A_21] : memref<2560x128xi32, #tpu.memory_space<hbm>> -> memref<80x128xi32, #tpu.memory_space<hbm>>
      %dma_start3A_23 = arith.constant 0 : i32
      %dma_start3A_24 = tpu.memref_slice %arg3[%mul3A_4, %dma_start3A_23] : memref<2560x128xi32, #tpu.memory_space<hbm>> -> memref<80x128xi32, #tpu.memory_space<hbm>>
      tpu.enqueue_dma source(%dma_start3A_24 : memref<80x128xi32, #tpu.memory_space<hbm>>) target(%arg9 : memref<80x128xi32, #tpu.memory_space<vmem>>) target_semaphore(%run_scoped3A : memref<!tpu.dma_semaphore, #tpu.memory_space<semaphore_mem>>)
      %dma_wait3A = arith.constant 0 : i32
      %dma_wait3A_25 = tpu.memref_slice %arg3[%mul3A_4, %dma_wait3A] : memref<2560x128xi32, #tpu.memory_space<hbm>> -> memref<80x128xi32, #tpu.memory_space<hbm>>
      %dma_wait3A_26 = arith.constant 0 : i32
      %dma_wait3A_27 = tpu.memref_slice %arg3[%mul3A_4, %dma_wait3A_26] : memref<2560x128xi32, #tpu.memory_space<hbm>> -> memref<80x128xi32, #tpu.memory_space<hbm>>
      tpu.wait_dma2 semaphore(%run_scoped3A : memref<!tpu.dma_semaphore, #tpu.memory_space<semaphore_mem>>) src(%dma_wait3A_27 : memref<80x128xi32, #tpu.memory_space<hbm>>) dst(%arg9 : memref<80x128xi32, #tpu.memory_space<vmem>>)
      tpu.yield
    }) : () -> ()
    %mul3A_5 = arith.constant 632 : i32
    %mul3A_6 = arith.muli %arg1, %mul3A_5 : i32
    %mul3A_7 = arith.constant 632 : i32
    %mul3A_8 = arith.muli %arg1, %mul3A_7 : i32
    "tpu.region"() ({
      %run_scoped3A = tpu.sem_alloc : memref<!tpu.dma_semaphore, #tpu.memory_space<semaphore_mem>>
      %dma_start3A_21 = arith.constant 0 : i32
      %dma_start3A_22 = tpu.memref_slice %arg12[%mul3A_8, %dma_start3A_21] : memref<10112x128xf32, #tpu.memory_space<vmem_shared>> -> memref<632x128xf32, #tpu.memory_space<vmem_shared>>
      %dma_start3A_23 = arith.constant 0 : i32
      %dma_start3A_24 = tpu.memref_slice %arg5[%mul3A_6, %dma_start3A_23] : memref<10112x128xf32, #tpu.memory_space<hbm>> -> memref<632x128xf32, #tpu.memory_space<hbm>>
      tpu.enqueue_dma source(%dma_start3A_24 : memref<632x128xf32, #tpu.memory_space<hbm>>) target(%dma_start3A_22 : memref<632x128xf32, #tpu.memory_space<vmem_shared>>) target_semaphore(%run_scoped3A : memref<!tpu.dma_semaphore, #tpu.memory_space<semaphore_mem>>)
      %dma_wait3A = arith.constant 0 : i32
      %dma_wait3A_25 = tpu.memref_slice %arg12[%mul3A_8, %dma_wait3A] : memref<10112x128xf32, #tpu.memory_space<vmem_shared>> -> memref<632x128xf32, #tpu.memory_space<vmem_shared>>
      %dma_wait3A_26 = arith.constant 0 : i32
      %dma_wait3A_27 = tpu.memref_slice %arg5[%mul3A_6, %dma_wait3A_26] : memref<10112x128xf32, #tpu.memory_space<hbm>> -> memref<632x128xf32, #tpu.memory_space<hbm>>
      tpu.wait_dma2 semaphore(%run_scoped3A : memref<!tpu.dma_semaphore, #tpu.memory_space<semaphore_mem>>) src(%dma_wait3A_27 : memref<632x128xf32, #tpu.memory_space<hbm>>) dst(%dma_wait3A_25 : memref<632x128xf32, #tpu.memory_space<vmem_shared>>)
      tpu.yield
    }) : () -> ()
    %barrier3A = arith.constant 0 : index
    tpu.barrier barrier_id(%barrier3A)
    "tpu.region"() ({
      %run_scoped3A = tpu.sem_alloc : memref<!tpu.dma_semaphore, #tpu.memory_space<semaphore_mem>>
      %dma_start3A_21 = tpu.memref_slice %arg2[%mul3A_2] : memref<327680xi32, #tpu.memory_space<hbm>> -> memref<128xi32, #tpu.memory_space<hbm>>
      %dma_start3A_22 = tpu.memref_slice %arg2[%mul3A_2] : memref<327680xi32, #tpu.memory_space<hbm>> -> memref<128xi32, #tpu.memory_space<hbm>>
      tpu.enqueue_dma source(%dma_start3A_22 : memref<128xi32, #tpu.memory_space<hbm>>) target(%arg7 : memref<128xi32, #tpu.memory_space<vmem>>) target_semaphore(%run_scoped3A : memref<!tpu.dma_semaphore, #tpu.memory_space<semaphore_mem>>)
      %dma_wait3A = tpu.memref_slice %arg2[%mul3A_2] : memref<327680xi32, #tpu.memory_space<hbm>> -> memref<128xi32, #tpu.memory_space<hbm>>
      %dma_wait3A_23 = tpu.memref_slice %arg2[%mul3A_2] : memref<327680xi32, #tpu.memory_space<hbm>> -> memref<128xi32, #tpu.memory_space<hbm>>
      tpu.wait_dma2 semaphore(%run_scoped3A : memref<!tpu.dma_semaphore, #tpu.memory_space<semaphore_mem>>) src(%dma_wait3A_23 : memref<128xi32, #tpu.memory_space<hbm>>) dst(%arg7 : memref<128xi32, #tpu.memory_space<vmem>>)
      tpu.yield
    }) : () -> ()
    %dma_start3A = arith.constant 0 : i32
    %dma_start3A_9 = arith.constant 0 : i32
    %dma_start3A_10 = tpu.memref_slice %arg4[%dma_start3A, %dma_start3A_9] : memref<10000x128xf32, #tpu.memory_space<hbm>> -> memref<10000x128xf32, #tpu.memory_space<hbm>>
    tpu.enqueue_indirect_dma source(%dma_start3A_10 : memref<10000x128xf32, #tpu.memory_space<hbm>>) target(%arg10 : memref<128x128xf32, #tpu.memory_space<vmem>>) offsets(%arg7 : memref<128xi32, #tpu.memory_space<vmem>>) semaphore(%arg13 : memref<!tpu.dma_semaphore, #tpu.memory_space<semaphore_mem>>)
    %scan3A = arith.constant 0 : i32
    %scan3A_11 = arith.constant 0 : i32
    %scan3A_12 = arith.constant 40 : i32
    %scan3A_13 = arith.addi %scan3A_11, %scan3A_12 : i32
    %scan3A_14 = arith.constant 1 : i32
    scf.for %scan3A_21 = %scan3A_11 to %scan3A_13 step %scan3A_14  : i32 {
      %mul3A_22 = arith.constant 2 : i32
      %mul3A_23 = arith.muli %mul3A_22, %scan3A_21 : i32
      %add3A_24 = arith.constant 1 : i32
      %add3A_25 = arith.addi %mul3A_23, %add3A_24 : i32
      %mul3A_26 = arith.constant 128 : i32
      %mul3A_27 = arith.muli %add3A_25, %mul3A_26 : i32
      %add3A_28 = arith.addi %mul3A_2, %mul3A_27 : i32
      "tpu.region"() ({
        %run_scoped3A = tpu.sem_alloc : memref<!tpu.dma_semaphore, #tpu.memory_space<semaphore_mem>>
        %dma_start3A_46 = tpu.memref_slice %arg2[%add3A_28] : memref<327680xi32, #tpu.memory_space<hbm>> -> memref<128xi32, #tpu.memory_space<hbm>>
        %dma_start3A_47 = tpu.memref_slice %arg2[%add3A_28] : memref<327680xi32, #tpu.memory_space<hbm>> -> memref<128xi32, #tpu.memory_space<hbm>>
        tpu.enqueue_dma source(%dma_start3A_47 : memref<128xi32, #tpu.memory_space<hbm>>) target(%arg8 : memref<128xi32, #tpu.memory_space<vmem>>) target_semaphore(%run_scoped3A : memref<!tpu.dma_semaphore, #tpu.memory_space<semaphore_mem>>)
        %dma_wait3A_48 = tpu.memref_slice %arg2[%add3A_28] : memref<327680xi32, #tpu.memory_space<hbm>> -> memref<128xi32, #tpu.memory_space<hbm>>
        %dma_wait3A_49 = tpu.memref_slice %arg2[%add3A_28] : memref<327680xi32, #tpu.memory_space<hbm>> -> memref<128xi32, #tpu.memory_space<hbm>>
        tpu.wait_dma2 semaphore(%run_scoped3A : memref<!tpu.dma_semaphore, #tpu.memory_space<semaphore_mem>>) src(%dma_wait3A_49 : memref<128xi32, #tpu.memory_space<hbm>>) dst(%arg8 : memref<128xi32, #tpu.memory_space<vmem>>)
        tpu.yield
      }) : () -> ()
      %dma_wait3A = arith.constant 0 : i32
      %dma_wait3A_29 = arith.constant 0 : i32
      %dma_wait3A_30 = tpu.memref_slice %arg4[%dma_wait3A, %dma_wait3A_29] : memref<10000x128xf32, #tpu.memory_space<hbm>> -> memref<10000x128xf32, #tpu.memory_space<hbm>>
      tpu.wait_indirect_dma semaphore(%arg13 : memref<!tpu.dma_semaphore, #tpu.memory_space<semaphore_mem>>) src(%dma_wait3A_30 : memref<10000x128xf32, #tpu.memory_space<hbm>>) dst(%arg10 : memref<128x128xf32, #tpu.memory_space<vmem>>)
      %dma_start3A_31 = arith.constant 0 : i32
      %dma_start3A_32 = arith.constant 0 : i32
      %dma_start3A_33 = tpu.memref_slice %arg4[%dma_start3A_31, %dma_start3A_32] : memref<10000x128xf32, #tpu.memory_space<hbm>> -> memref<10000x128xf32, #tpu.memory_space<hbm>>
      tpu.enqueue_indirect_dma source(%dma_start3A_33 : memref<10000x128xf32, #tpu.memory_space<hbm>>) target(%arg11 : memref<128x128xf32, #tpu.memory_space<vmem>>) offsets(%arg8 : memref<128xi32, #tpu.memory_space<vmem>>) semaphore(%arg13 : memref<!tpu.dma_semaphore, #tpu.memory_space<semaphore_mem>>)
      "tpu.region"() ({
        %run_scoped3A = tpu.sem_alloc : memref<!tpu.dma_semaphore, #tpu.memory_space<semaphore_mem>>
        %dma_start3A_46 = arith.constant 0 : i32
        %dma_start3A_47 = tpu.memref_slice %arg9[%mul3A_23, %dma_start3A_46] : memref<80x128xi32, #tpu.memory_space<vmem>> -> memref<1x128xi32, #tpu.memory_space<vmem>>
        %dma_start3A_48 = tpu.memref_squeeze %dma_start3A_47 : memref<1x128xi32, #tpu.memory_space<vmem>> -> memref<128xi32, #tpu.memory_space<vmem>>
        %dma_start3A_49 = arith.constant 0 : i32
        %dma_start3A_50 = arith.constant 0 : i32
        %dma_start3A_51 = tpu.memref_slice %arg12[%dma_start3A_49, %dma_start3A_50] : memref<10112x128xf32, #tpu.memory_space<vmem_shared>> -> memref<10112x128xf32, #tpu.memory_space<vmem_shared>>
        tpu.enqueue_indirect_dma source(%arg10 : memref<128x128xf32, #tpu.memory_space<vmem>>) target(%dma_start3A_51 : memref<10112x128xf32, #tpu.memory_space<vmem_shared>>) offsets(%dma_start3A_48 : memref<128xi32, #tpu.memory_space<vmem>>) semaphore(%run_scoped3A : memref<!tpu.dma_semaphore, #tpu.memory_space<semaphore_mem>>) {add = true}
        %dma_wait3A_52 = arith.constant 0 : i32
        %dma_wait3A_53 = tpu.memref_slice %arg9[%mul3A_23, %dma_wait3A_52] : memref<80x128xi32, #tpu.memory_space<vmem>> -> memref<1x128xi32, #tpu.memory_space<vmem>>
        %dma_wait3A_54 = tpu.memref_squeeze %dma_wait3A_53 : memref<1x128xi32, #tpu.memory_space<vmem>> -> memref<128xi32, #tpu.memory_space<vmem>>
        %dma_wait3A_55 = arith.constant 0 : i32
        %dma_wait3A_56 = arith.constant 0 : i32
        %dma_wait3A_57 = tpu.memref_slice %arg12[%dma_wait3A_55, %dma_wait3A_56] : memref<10112x128xf32, #tpu.memory_space<vmem_shared>> -> memref<10112x128xf32, #tpu.memory_space<vmem_shared>>
        tpu.wait_indirect_dma semaphore(%run_scoped3A : memref<!tpu.dma_semaphore, #tpu.memory_space<semaphore_mem>>) src(%arg10 : memref<128x128xf32, #tpu.memory_space<vmem>>) dst(%dma_wait3A_57 : memref<10112x128xf32, #tpu.memory_space<vmem_shared>>)
        tpu.yield
      }) : () -> ()
      %lt3A = arith.constant 39 : i32
      %lt3A_34 = arith.cmpi slt, %scan3A_21, %lt3A : i32
      %convert_element_type3A = arith.extui %lt3A_34 : i1 to i32
      %cond3A = arith.constant 0 : i32
      %cond3A_35 = arith.cmpi ne, %convert_element_type3A, %cond3A : i32
      scf.if %cond3A_35 {
        %add3A_46 = arith.constant 2 : i32
        %add3A_47 = arith.addi %mul3A_23, %add3A_46 : i32
        %mul3A_48 = arith.constant 128 : i32
        %mul3A_49 = arith.muli %add3A_47, %mul3A_48 : i32
        %add3A_50 = arith.addi %mul3A_2, %mul3A_49 : i32
        "tpu.region"() ({
          %run_scoped3A = tpu.sem_alloc : memref<!tpu.dma_semaphore, #tpu.memory_space<semaphore_mem>>
          %dma_start3A_51 = tpu.memref_slice %arg2[%add3A_50] : memref<327680xi32, #tpu.memory_space<hbm>> -> memref<128xi32, #tpu.memory_space<hbm>>
          %dma_start3A_52 = tpu.memref_slice %arg2[%add3A_50] : memref<327680xi32, #tpu.memory_space<hbm>> -> memref<128xi32, #tpu.memory_space<hbm>>
          tpu.enqueue_dma source(%dma_start3A_52 : memref<128xi32, #tpu.memory_space<hbm>>) target(%arg7 : memref<128xi32, #tpu.memory_space<vmem>>) target_semaphore(%run_scoped3A : memref<!tpu.dma_semaphore, #tpu.memory_space<semaphore_mem>>)
          %dma_wait3A_53 = tpu.memref_slice %arg2[%add3A_50] : memref<327680xi32, #tpu.memory_space<hbm>> -> memref<128xi32, #tpu.memory_space<hbm>>
          %dma_wait3A_54 = tpu.memref_slice %arg2[%add3A_50] : memref<327680xi32, #tpu.memory_space<hbm>> -> memref<128xi32, #tpu.memory_space<hbm>>
          tpu.wait_dma2 semaphore(%run_scoped3A : memref<!tpu.dma_semaphore, #tpu.memory_space<semaphore_mem>>) src(%dma_wait3A_54 : memref<128xi32, #tpu.memory_space<hbm>>) dst(%arg7 : memref<128xi32, #tpu.memory_space<vmem>>)
          tpu.yield
        }) : () -> ()
      } else {
      }
      %dma_wait3A_36 = arith.constant 0 : i32
      %dma_wait3A_37 = arith.constant 0 : i32
      %dma_wait3A_38 = tpu.memref_slice %arg4[%dma_wait3A_36, %dma_wait3A_37] : memref<10000x128xf32, #tpu.memory_space<hbm>> -> memref<10000x128xf32, #tpu.memory_space<hbm>>
      tpu.wait_indirect_dma semaphore(%arg13 : memref<!tpu.dma_semaphore, #tpu.memory_space<semaphore_mem>>) src(%dma_wait3A_38 : memref<10000x128xf32, #tpu.memory_space<hbm>>) dst(%arg11 : memref<128x128xf32, #tpu.memory_space<vmem>>)
      %lt3A_39 = arith.constant 39 : i32
      %lt3A_40 = arith.cmpi slt, %scan3A_21, %lt3A_39 : i32
      %convert_element_type3A_41 = arith.extui %lt3A_40 : i1 to i32
      %cond3A_42 = arith.constant 0 : i32
      %cond3A_43 = arith.cmpi ne, %convert_element_type3A_41, %cond3A_42 : i32
      scf.if %cond3A_43 {
        %dma_start3A_46 = arith.constant 0 : i32
        %dma_start3A_47 = arith.constant 0 : i32
        %dma_start3A_48 = tpu.memref_slice %arg4[%dma_start3A_46, %dma_start3A_47] : memref<10000x128xf32, #tpu.memory_space<hbm>> -> memref<10000x128xf32, #tpu.memory_space<hbm>>
        tpu.enqueue_indirect_dma source(%dma_start3A_48 : memref<10000x128xf32, #tpu.memory_space<hbm>>) target(%arg10 : memref<128x128xf32, #tpu.memory_space<vmem>>) offsets(%arg7 : memref<128xi32, #tpu.memory_space<vmem>>) semaphore(%arg13 : memref<!tpu.dma_semaphore, #tpu.memory_space<semaphore_mem>>)
      } else {
      }
      %add3A_44 = arith.constant 1 : i32
      %add3A_45 = arith.addi %mul3A_23, %add3A_44 : i32
      "tpu.region"() ({
        %run_scoped3A = tpu.sem_alloc : memref<!tpu.dma_semaphore, #tpu.memory_space<semaphore_mem>>
        %dma_start3A_46 = arith.constant 0 : i32
        %dma_start3A_47 = tpu.memref_slice %arg9[%add3A_45, %dma_start3A_46] : memref<80x128xi32, #tpu.memory_space<vmem>> -> memref<1x128xi32, #tpu.memory_space<vmem>>
        %dma_start3A_48 = tpu.memref_squeeze %dma_start3A_47 : memref<1x128xi32, #tpu.memory_space<vmem>> -> memref<128xi32, #tpu.memory_space<vmem>>
        %dma_start3A_49 = arith.constant 0 : i32
        %dma_start3A_50 = arith.constant 0 : i32
        %dma_start3A_51 = tpu.memref_slice %arg12[%dma_start3A_49, %dma_start3A_50] : memref<10112x128xf32, #tpu.memory_space<vmem_shared>> -> memref<10112x128xf32, #tpu.memory_space<vmem_shared>>
        tpu.enqueue_indirect_dma source(%arg11 : memref<128x128xf32, #tpu.memory_space<vmem>>) target(%dma_start3A_51 : memref<10112x128xf32, #tpu.memory_space<vmem_shared>>) offsets(%dma_start3A_48 : memref<128xi32, #tpu.memory_space<vmem>>) semaphore(%run_scoped3A : memref<!tpu.dma_semaphore, #tpu.memory_space<semaphore_mem>>) {add = true}
        %dma_wait3A_52 = arith.constant 0 : i32
        %dma_wait3A_53 = tpu.memref_slice %arg9[%add3A_45, %dma_wait3A_52] : memref<80x128xi32, #tpu.memory_space<vmem>> -> memref<1x128xi32, #tpu.memory_space<vmem>>
        %dma_wait3A_54 = tpu.memref_squeeze %dma_wait3A_53 : memref<1x128xi32, #tpu.memory_space<vmem>> -> memref<128xi32, #tpu.memory_space<vmem>>
        %dma_wait3A_55 = arith.constant 0 : i32
        %dma_wait3A_56 = arith.constant 0 : i32
        %dma_wait3A_57 = tpu.memref_slice %arg12[%dma_wait3A_55, %dma_wait3A_56] : memref<10112x128xf32, #tpu.memory_space<vmem_shared>> -> memref<10112x128xf32, #tpu.memory_space<vmem_shared>>
        tpu.wait_indirect_dma semaphore(%run_scoped3A : memref<!tpu.dma_semaphore, #tpu.memory_space<semaphore_mem>>) src(%arg11 : memref<128x128xf32, #tpu.memory_space<vmem>>) dst(%dma_wait3A_57 : memref<10112x128xf32, #tpu.memory_space<vmem_shared>>)
        tpu.yield
      }) : () -> ()
    }
    %scan3A_15 = arith.constant 40 : i32
    %barrier3A_16 = arith.constant 0 : index
    tpu.barrier barrier_id(%barrier3A_16)
    %mul3A_17 = arith.constant 632 : i32
    %mul3A_18 = arith.muli %arg1, %mul3A_17 : i32
    %mul3A_19 = arith.constant 632 : i32
    %mul3A_20 = arith.muli %arg1, %mul3A_19 : i32
    "tpu.region"() ({
      %run_scoped3A = tpu.sem_alloc : memref<!tpu.dma_semaphore, #tpu.memory_space<semaphore_mem>>
      %dma_start3A_21 = arith.constant 0 : i32
      %dma_start3A_22 = tpu.memref_slice %arg6[%arg0, %mul3A_20, %dma_start3A_21] : memref<2x10112x128xf32, #tpu.memory_space<hbm>> -> memref<1x632x128xf32, #tpu.memory_space<hbm>>
      %dma_start3A_23 = tpu.memref_squeeze %dma_start3A_22 : memref<1x632x128xf32, #tpu.memory_space<hbm>> -> memref<632x128xf32, #tpu.memory_space<hbm>>
      %dma_start3A_24 = arith.constant 0 : i32
      %dma_start3A_25 = tpu.memref_slice %arg12[%mul3A_18, %dma_start3A_24] : memref<10112x128xf32, #tpu.memory_space<vmem_shared>> -> memref<632x128xf32, #tpu.memory_space<vmem_shared>>
      tpu.enqueue_dma source(%dma_start3A_25 : memref<632x128xf32, #tpu.memory_space<vmem_shared>>) target(%dma_start3A_23 : memref<632x128xf32, #tpu.memory_space<hbm>>) target_semaphore(%run_scoped3A : memref<!tpu.dma_semaphore, #tpu.memory_space<semaphore_mem>>)
      %dma_wait3A = arith.constant 0 : i32
      %dma_wait3A_26 = tpu.memref_slice %arg6[%arg0, %mul3A_20, %dma_wait3A] : memref<2x10112x128xf32, #tpu.memory_space<hbm>> -> memref<1x632x128xf32, #tpu.memory_space<hbm>>
      %dma_wait3A_27 = tpu.memref_squeeze %dma_wait3A_26 : memref<1x632x128xf32, #tpu.memory_space<hbm>> -> memref<632x128xf32, #tpu.memory_space<hbm>>
      %dma_wait3A_28 = arith.constant 0 : i32
      %dma_wait3A_29 = tpu.memref_slice %arg12[%mul3A_18, %dma_wait3A_28] : memref<10112x128xf32, #tpu.memory_space<vmem_shared>> -> memref<632x128xf32, #tpu.memory_space<vmem_shared>>
      tpu.wait_dma2 semaphore(%run_scoped3A : memref<!tpu.dma_semaphore, #tpu.memory_space<semaphore_mem>>) src(%dma_wait3A_29 : memref<632x128xf32, #tpu.memory_space<vmem_shared>>) dst(%dma_wait3A_27 : memref<632x128xf32, #tpu.memory_space<hbm>>)
      tpu.yield
    }) : () -> ()
    return
  }
}

#map = affine_map<(d0, d1) -> (0)>
#map1 = affine_map<(d0, d1) -> (0, 0)>
#map2 = affine_map<(d0, d1) -> (0, 0, 0)>
module attributes {stable_mosaic.version = 14 : i64} {
  func.func @_scat(%arg0: i32, %arg1: i32, %arg2: memref<327680xi32, #tpu.memory_space<hbm>>, %arg3: memref<2560x128xi32, #tpu.memory_space<hbm>>, %arg4: memref<10000x128xf32, #tpu.memory_space<hbm>>, %arg5: memref<10112x128xf32, #tpu.memory_space<hbm>>, %arg6: memref<2x10112x128xf32, #tpu.memory_space<hbm>>, %arg7: memref<128xi32, #tpu.memory_space<vmem>>, %arg8: memref<128xi32, #tpu.memory_space<vmem>>, %arg9: memref<80x128xi32, #tpu.memory_space<vmem>>, %arg10: memref<128x128xf32, #tpu.memory_space<vmem>>, %arg11: memref<128x128xf32, #tpu.memory_space<vmem>>, %arg12: memref<10112x128xf32, #tpu.memory_space<vmem_shared>>, %arg13: memref<!tpu.dma_semaphore, #tpu.memory_space<semaphore_mem>>) attributes {dimension_semantics = [#tpu.dimension_semantics<core_parallel>, #tpu.dimension_semantics<subcore_parallel>], iteration_bounds = array<i64: 2, 16>, scalar_prefetch = 0 : i64, scratch_operands = 7 : i64, tpu.core_type = #tpu.core_type<sc_vector_subcore>, window_params = [{transform_indices = #map}, {transform_indices = #map1}, {transform_indices = #map1}, {transform_indices = #map1}, {transform_indices = #map2}]} {
    %mul3A = arith.constant 16 : i32
    %mul3A_0 = arith.muli %arg0, %mul3A : i32
    %add3A = arith.addi %mul3A_0, %arg1 : i32
    %mul3A_1 = arith.constant 10240 : i32
    %mul3A_2 = arith.muli %add3A, %mul3A_1 : i32
    %mul3A_3 = arith.constant 80 : i32
    %mul3A_4 = arith.muli %add3A, %mul3A_3 : i32
    "tpu.region"() ({
      %run_scoped3A = tpu.sem_alloc : memref<!tpu.dma_semaphore, #tpu.memory_space<semaphore_mem>>
      %dma_start3A_21 = arith.constant 0 : i32
      %dma_start3A_22 = tpu.memref_slice %arg3[%mul3A_4, %dma_start3A_21] : memref<2560x128xi32, #tpu.memory_space<hbm>> -> memref<80x128xi32, #tpu.memory_space<hbm>>
      %dma_start3A_23 = arith.constant 0 : i32
      %dma_start3A_24 = tpu.memref_slice %arg3[%mul3A_4, %dma_start3A_23] : memref<2560x128xi32, #tpu.memory_space<hbm>> -> memref<80x128xi32, #tpu.memory_space<hbm>>
      tpu.enqueue_dma source(%dma_start3A_24 : memref<80x128xi32, #tpu.memory_space<hbm>>) target(%arg9 : memref<80x128xi32, #tpu.memory_space<vmem>>) target_semaphore(%run_scoped3A : memref<!tpu.dma_semaphore, #tpu.memory_space<semaphore_mem>>)
      %dma_wait3A = arith.constant 0 : i32
      %dma_wait3A_25 = tpu.memref_slice %arg3[%mul3A_4, %dma_wait3A] : memref<2560x128xi32, #tpu.memory_space<hbm>> -> memref<80x128xi32, #tpu.memory_space<hbm>>
      %dma_wait3A_26 = arith.constant 0 : i32
      %dma_wait3A_27 = tpu.memref_slice %arg3[%mul3A_4, %dma_wait3A_26] : memref<2560x128xi32, #tpu.memory_space<hbm>> -> memref<80x128xi32, #tpu.memory_space<hbm>>
      tpu.wait_dma2 semaphore(%run_scoped3A : memref<!tpu.dma_semaphore, #tpu.memory_space<semaphore_mem>>) src(%dma_wait3A_27 : memref<80x128xi32, #tpu.memory_space<hbm>>) dst(%arg9 : memref<80x128xi32, #tpu.memory_space<vmem>>)
      tpu.yield
    }) : () -> ()
    %mul3A_5 = arith.constant 632 : i32
    %mul3A_6 = arith.muli %arg1, %mul3A_5 : i32
    %mul3A_7 = arith.constant 632 : i32
    %mul3A_8 = arith.muli %arg1, %mul3A_7 : i32
    "tpu.region"() ({
      %run_scoped3A = tpu.sem_alloc : memref<!tpu.dma_semaphore, #tpu.memory_space<semaphore_mem>>
      %dma_start3A_21 = arith.constant 0 : i32
      %dma_start3A_22 = tpu.memref_slice %arg12[%mul3A_8, %dma_start3A_21] : memref<10112x128xf32, #tpu.memory_space<vmem_shared>> -> memref<632x128xf32, #tpu.memory_space<vmem_shared>>
      %dma_start3A_23 = arith.constant 0 : i32
      %dma_start3A_24 = tpu.memref_slice %arg5[%mul3A_6, %dma_start3A_23] : memref<10112x128xf32, #tpu.memory_space<hbm>> -> memref<632x128xf32, #tpu.memory_space<hbm>>
      tpu.enqueue_dma source(%dma_start3A_24 : memref<632x128xf32, #tpu.memory_space<hbm>>) target(%dma_start3A_22 : memref<632x128xf32, #tpu.memory_space<vmem_shared>>) target_semaphore(%run_scoped3A : memref<!tpu.dma_semaphore, #tpu.memory_space<semaphore_mem>>)
      %dma_wait3A = arith.constant 0 : i32
      %dma_wait3A_25 = tpu.memref_slice %arg12[%mul3A_8, %dma_wait3A] : memref<10112x128xf32, #tpu.memory_space<vmem_shared>> -> memref<632x128xf32, #tpu.memory_space<vmem_shared>>
      %dma_wait3A_26 = arith.constant 0 : i32
      %dma_wait3A_27 = tpu.memref_slice %arg5[%mul3A_6, %dma_wait3A_26] : memref<10112x128xf32, #tpu.memory_space<hbm>> -> memref<632x128xf32, #tpu.memory_space<hbm>>
      tpu.wait_dma2 semaphore(%run_scoped3A : memref<!tpu.dma_semaphore, #tpu.memory_space<semaphore_mem>>) src(%dma_wait3A_27 : memref<632x128xf32, #tpu.memory_space<hbm>>) dst(%dma_wait3A_25 : memref<632x128xf32, #tpu.memory_space<vmem_shared>>)
      tpu.yield
    }) : () -> ()
    %barrier3A = arith.constant 0 : index
    tpu.barrier barrier_id(%barrier3A)
    "tpu.region"() ({
      %run_scoped3A = tpu.sem_alloc : memref<!tpu.dma_semaphore, #tpu.memory_space<semaphore_mem>>
      %dma_start3A_21 = tpu.memref_slice %arg2[%mul3A_2] : memref<327680xi32, #tpu.memory_space<hbm>> -> memref<128xi32, #tpu.memory_space<hbm>>
      %dma_start3A_22 = tpu.memref_slice %arg2[%mul3A_2] : memref<327680xi32, #tpu.memory_space<hbm>> -> memref<128xi32, #tpu.memory_space<hbm>>
      tpu.enqueue_dma source(%dma_start3A_22 : memref<128xi32, #tpu.memory_space<hbm>>) target(%arg7 : memref<128xi32, #tpu.memory_space<vmem>>) target_semaphore(%run_scoped3A : memref<!tpu.dma_semaphore, #tpu.memory_space<semaphore_mem>>)
      %dma_wait3A = tpu.memref_slice %arg2[%mul3A_2] : memref<327680xi32, #tpu.memory_space<hbm>> -> memref<128xi32, #tpu.memory_space<hbm>>
      %dma_wait3A_23 = tpu.memref_slice %arg2[%mul3A_2] : memref<327680xi32, #tpu.memory_space<hbm>> -> memref<128xi32, #tpu.memory_space<hbm>>
      tpu.wait_dma2 semaphore(%run_scoped3A : memref<!tpu.dma_semaphore, #tpu.memory_space<semaphore_mem>>) src(%dma_wait3A_23 : memref<128xi32, #tpu.memory_space<hbm>>) dst(%arg7 : memref<128xi32, #tpu.memory_space<vmem>>)
      tpu.yield
    }) : () -> ()
    %dma_start3A = arith.constant 0 : i32
    %dma_start3A_9 = arith.constant 0 : i32
    %dma_start3A_10 = tpu.memref_slice %arg4[%dma_start3A, %dma_start3A_9] : memref<10000x128xf32, #tpu.memory_space<hbm>> -> memref<10000x128xf32, #tpu.memory_space<hbm>>
    tpu.enqueue_indirect_dma source(%dma_start3A_10 : memref<10000x128xf32, #tpu.memory_space<hbm>>) target(%arg10 : memref<128x128xf32, #tpu.memory_space<vmem>>) offsets(%arg7 : memref<128xi32, #tpu.memory_space<vmem>>) semaphore(%arg13 : memref<!tpu.dma_semaphore, #tpu.memory_space<semaphore_mem>>)
    %scan3A = arith.constant 0 : i32
    %scan3A_11 = arith.constant 0 : i32
    %scan3A_12 = arith.constant 40 : i32
    %scan3A_13 = arith.addi %scan3A_11, %scan3A_12 : i32
    %scan3A_14 = arith.constant 1 : i32
    scf.for %scan3A_21 = %scan3A_11 to %scan3A_13 step %scan3A_14  : i32 {
      %mul3A_22 = arith.constant 2 : i32
      %mul3A_23 = arith.muli %mul3A_22, %scan3A_21 : i32
      %add3A_24 = arith.constant 1 : i32
      %add3A_25 = arith.addi %mul3A_23, %add3A_24 : i32
      %mul3A_26 = arith.constant 128 : i32
      %mul3A_27 = arith.muli %add3A_25, %mul3A_26 : i32
      %add3A_28 = arith.addi %mul3A_2, %mul3A_27 : i32
      "tpu.region"() ({
        %run_scoped3A = tpu.sem_alloc : memref<!tpu.dma_semaphore, #tpu.memory_space<semaphore_mem>>
        %dma_start3A_46 = tpu.memref_slice %arg2[%add3A_28] : memref<327680xi32, #tpu.memory_space<hbm>> -> memref<128xi32, #tpu.memory_space<hbm>>
        %dma_start3A_47 = tpu.memref_slice %arg2[%add3A_28] : memref<327680xi32, #tpu.memory_space<hbm>> -> memref<128xi32, #tpu.memory_space<hbm>>
        tpu.enqueue_dma source(%dma_start3A_47 : memref<128xi32, #tpu.memory_space<hbm>>) target(%arg8 : memref<128xi32, #tpu.memory_space<vmem>>) target_semaphore(%run_scoped3A : memref<!tpu.dma_semaphore, #tpu.memory_space<semaphore_mem>>)
        %dma_wait3A_48 = tpu.memref_slice %arg2[%add3A_28] : memref<327680xi32, #tpu.memory_space<hbm>> -> memref<128xi32, #tpu.memory_space<hbm>>
        %dma_wait3A_49 = tpu.memref_slice %arg2[%add3A_28] : memref<327680xi32, #tpu.memory_space<hbm>> -> memref<128xi32, #tpu.memory_space<hbm>>
        tpu.wait_dma2 semaphore(%run_scoped3A : memref<!tpu.dma_semaphore, #tpu.memory_space<semaphore_mem>>) src(%dma_wait3A_49 : memref<128xi32, #tpu.memory_space<hbm>>) dst(%arg8 : memref<128xi32, #tpu.memory_space<vmem>>)
        tpu.yield
      }) : () -> ()
      %dma_wait3A = arith.constant 0 : i32
      %dma_wait3A_29 = arith.constant 0 : i32
      %dma_wait3A_30 = tpu.memref_slice %arg4[%dma_wait3A, %dma_wait3A_29] : memref<10000x128xf32, #tpu.memory_space<hbm>> -> memref<10000x128xf32, #tpu.memory_space<hbm>>
      tpu.wait_indirect_dma semaphore(%arg13 : memref<!tpu.dma_semaphore, #tpu.memory_space<semaphore_mem>>) src(%dma_wait3A_30 : memref<10000x128xf32, #tpu.memory_space<hbm>>) dst(%arg10 : memref<128x128xf32, #tpu.memory_space<vmem>>)
      %dma_start3A_31 = arith.constant 0 : i32
      %dma_start3A_32 = arith.constant 0 : i32
      %dma_start3A_33 = tpu.memref_slice %arg4[%dma_start3A_31, %dma_start3A_32] : memref<10000x128xf32, #tpu.memory_space<hbm>> -> memref<10000x128xf32, #tpu.memory_space<hbm>>
      tpu.enqueue_indirect_dma source(%dma_start3A_33 : memref<10000x128xf32, #tpu.memory_space<hbm>>) target(%arg11 : memref<128x128xf32, #tpu.memory_space<vmem>>) offsets(%arg8 : memref<128xi32, #tpu.memory_space<vmem>>) semaphore(%arg13 : memref<!tpu.dma_semaphore, #tpu.memory_space<semaphore_mem>>)
      "tpu.region"() ({
        %run_scoped3A = tpu.sem_alloc : memref<!tpu.dma_semaphore, #tpu.memory_space<semaphore_mem>>
        %dma_start3A_46 = arith.constant 0 : i32
        %dma_start3A_47 = tpu.memref_slice %arg9[%mul3A_23, %dma_start3A_46] : memref<80x128xi32, #tpu.memory_space<vmem>> -> memref<1x128xi32, #tpu.memory_space<vmem>>
        %dma_start3A_48 = tpu.memref_squeeze %dma_start3A_47 : memref<1x128xi32, #tpu.memory_space<vmem>> -> memref<128xi32, #tpu.memory_space<vmem>>
        %dma_start3A_49 = arith.constant 0 : i32
        %dma_start3A_50 = arith.constant 0 : i32
        %dma_start3A_51 = tpu.memref_slice %arg12[%dma_start3A_49, %dma_start3A_50] : memref<10112x128xf32, #tpu.memory_space<vmem_shared>> -> memref<10112x128xf32, #tpu.memory_space<vmem_shared>>
        tpu.enqueue_indirect_dma source(%arg10 : memref<128x128xf32, #tpu.memory_space<vmem>>) target(%dma_start3A_51 : memref<10112x128xf32, #tpu.memory_space<vmem_shared>>) offsets(%dma_start3A_48 : memref<128xi32, #tpu.memory_space<vmem>>) semaphore(%run_scoped3A : memref<!tpu.dma_semaphore, #tpu.memory_space<semaphore_mem>>) {add = true}
        %dma_wait3A_52 = arith.constant 0 : i32
        %dma_wait3A_53 = tpu.memref_slice %arg9[%mul3A_23, %dma_wait3A_52] : memref<80x128xi32, #tpu.memory_space<vmem>> -> memref<1x128xi32, #tpu.memory_space<vmem>>
        %dma_wait3A_54 = tpu.memref_squeeze %dma_wait3A_53 : memref<1x128xi32, #tpu.memory_space<vmem>> -> memref<128xi32, #tpu.memory_space<vmem>>
        %dma_wait3A_55 = arith.constant 0 : i32
        %dma_wait3A_56 = arith.constant 0 : i32
        %dma_wait3A_57 = tpu.memref_slice %arg12[%dma_wait3A_55, %dma_wait3A_56] : memref<10112x128xf32, #tpu.memory_space<vmem_shared>> -> memref<10112x128xf32, #tpu.memory_space<vmem_shared>>
        tpu.wait_indirect_dma semaphore(%run_scoped3A : memref<!tpu.dma_semaphore, #tpu.memory_space<semaphore_mem>>) src(%arg10 : memref<128x128xf32, #tpu.memory_space<vmem>>) dst(%dma_wait3A_57 : memref<10112x128xf32, #tpu.memory_space<vmem_shared>>)
        tpu.yield
      }) : () -> ()
      %lt3A = arith.constant 39 : i32
      %lt3A_34 = arith.cmpi slt, %scan3A_21, %lt3A : i32
      %convert_element_type3A = arith.extui %lt3A_34 : i1 to i32
      %cond3A = arith.constant 0 : i32
      %cond3A_35 = arith.cmpi ne, %convert_element_type3A, %cond3A : i32
      scf.if %cond3A_35 {
        %add3A_46 = arith.constant 2 : i32
        %add3A_47 = arith.addi %mul3A_23, %add3A_46 : i32
        %mul3A_48 = arith.constant 128 : i32
        %mul3A_49 = arith.muli %add3A_47, %mul3A_48 : i32
        %add3A_50 = arith.addi %mul3A_2, %mul3A_49 : i32
        "tpu.region"() ({
          %run_scoped3A = tpu.sem_alloc : memref<!tpu.dma_semaphore, #tpu.memory_space<semaphore_mem>>
          %dma_start3A_51 = tpu.memref_slice %arg2[%add3A_50] : memref<327680xi32, #tpu.memory_space<hbm>> -> memref<128xi32, #tpu.memory_space<hbm>>
          %dma_start3A_52 = tpu.memref_slice %arg2[%add3A_50] : memref<327680xi32, #tpu.memory_space<hbm>> -> memref<128xi32, #tpu.memory_space<hbm>>
          tpu.enqueue_dma source(%dma_start3A_52 : memref<128xi32, #tpu.memory_space<hbm>>) target(%arg7 : memref<128xi32, #tpu.memory_space<vmem>>) target_semaphore(%run_scoped3A : memref<!tpu.dma_semaphore, #tpu.memory_space<semaphore_mem>>)
          %dma_wait3A_53 = tpu.memref_slice %arg2[%add3A_50] : memref<327680xi32, #tpu.memory_space<hbm>> -> memref<128xi32, #tpu.memory_space<hbm>>
          %dma_wait3A_54 = tpu.memref_slice %arg2[%add3A_50] : memref<327680xi32, #tpu.memory_space<hbm>> -> memref<128xi32, #tpu.memory_space<hbm>>
          tpu.wait_dma2 semaphore(%run_scoped3A : memref<!tpu.dma_semaphore, #tpu.memory_space<semaphore_mem>>) src(%dma_wait3A_54 : memref<128xi32, #tpu.memory_space<hbm>>) dst(%arg7 : memref<128xi32, #tpu.memory_space<vmem>>)
          tpu.yield
        }) : () -> ()
      } else {
      }
      %dma_wait3A_36 = arith.constant 0 : i32
      %dma_wait3A_37 = arith.constant 0 : i32
      %dma_wait3A_38 = tpu.memref_slice %arg4[%dma_wait3A_36, %dma_wait3A_37] : memref<10000x128xf32, #tpu.memory_space<hbm>> -> memref<10000x128xf32, #tpu.memory_space<hbm>>
      tpu.wait_indirect_dma semaphore(%arg13 : memref<!tpu.dma_semaphore, #tpu.memory_space<semaphore_mem>>) src(%dma_wait3A_38 : memref<10000x128xf32, #tpu.memory_space<hbm>>) dst(%arg11 : memref<128x128xf32, #tpu.memory_space<vmem>>)
      %lt3A_39 = arith.constant 39 : i32
      %lt3A_40 = arith.cmpi slt, %scan3A_21, %lt3A_39 : i32
      %convert_element_type3A_41 = arith.extui %lt3A_40 : i1 to i32
      %cond3A_42 = arith.constant 0 : i32
      %cond3A_43 = arith.cmpi ne, %convert_element_type3A_41, %cond3A_42 : i32
      scf.if %cond3A_43 {
        %dma_start3A_46 = arith.constant 0 : i32
        %dma_start3A_47 = arith.constant 0 : i32
        %dma_start3A_48 = tpu.memref_slice %arg4[%dma_start3A_46, %dma_start3A_47] : memref<10000x128xf32, #tpu.memory_space<hbm>> -> memref<10000x128xf32, #tpu.memory_space<hbm>>
        tpu.enqueue_indirect_dma source(%dma_start3A_48 : memref<10000x128xf32, #tpu.memory_space<hbm>>) target(%arg10 : memref<128x128xf32, #tpu.memory_space<vmem>>) offsets(%arg7 : memref<128xi32, #tpu.memory_space<vmem>>) semaphore(%arg13 : memref<!tpu.dma_semaphore, #tpu.memory_space<semaphore_mem>>)
      } else {
      }
      %add3A_44 = arith.constant 1 : i32
      %add3A_45 = arith.addi %mul3A_23, %add3A_44 : i32
      "tpu.region"() ({
        %run_scoped3A = tpu.sem_alloc : memref<!tpu.dma_semaphore, #tpu.memory_space<semaphore_mem>>
        %dma_start3A_46 = arith.constant 0 : i32
        %dma_start3A_47 = tpu.memref_slice %arg9[%add3A_45, %dma_start3A_46] : memref<80x128xi32, #tpu.memory_space<vmem>> -> memref<1x128xi32, #tpu.memory_space<vmem>>
        %dma_start3A_48 = tpu.memref_squeeze %dma_start3A_47 : memref<1x128xi32, #tpu.memory_space<vmem>> -> memref<128xi32, #tpu.memory_space<vmem>>
        %dma_start3A_49 = arith.constant 0 : i32
        %dma_start3A_50 = arith.constant 0 : i32
        %dma_start3A_51 = tpu.memref_slice %arg12[%dma_start3A_49, %dma_start3A_50] : memref<10112x128xf32, #tpu.memory_space<vmem_shared>> -> memref<10112x128xf32, #tpu.memory_space<vmem_shared>>
        tpu.enqueue_indirect_dma source(%arg11 : memref<128x128xf32, #tpu.memory_space<vmem>>) target(%dma_start3A_51 : memref<10112x128xf32, #tpu.memory_space<vmem_shared>>) offsets(%dma_start3A_48 : memref<128xi32, #tpu.memory_space<vmem>>) semaphore(%run_scoped3A : memref<!tpu.dma_semaphore, #tpu.memory_space<semaphore_mem>>) {add = true}
        %dma_wait3A_52 = arith.constant 0 : i32
        %dma_wait3A_53 = tpu.memref_slice %arg9[%add3A_45, %dma_wait3A_52] : memref<80x128xi32, #tpu.memory_space<vmem>> -> memref<1x128xi32, #tpu.memory_space<vmem>>
        %dma_wait3A_54 = tpu.memref_squeeze %dma_wait3A_53 : memref<1x128xi32, #tpu.memory_space<vmem>> -> memref<128xi32, #tpu.memory_space<vmem>>
        %dma_wait3A_55 = arith.constant 0 : i32
        %dma_wait3A_56 = arith.constant 0 : i32
        %dma_wait3A_57 = tpu.memref_slice %arg12[%dma_wait3A_55, %dma_wait3A_56] : memref<10112x128xf32, #tpu.memory_space<vmem_shared>> -> memref<10112x128xf32, #tpu.memory_space<vmem_shared>>
        tpu.wait_indirect_dma semaphore(%run_scoped3A : memref<!tpu.dma_semaphore, #tpu.memory_space<semaphore_mem>>) src(%arg11 : memref<128x128xf32, #tpu.memory_space<vmem>>) dst(%dma_wait3A_57 : memref<10112x128xf32, #tpu.memory_space<vmem_shared>>)
        tpu.yield
      }) : () -> ()
    }
    %scan3A_15 = arith.constant 40 : i32
    %barrier3A_16 = arith.constant 0 : index
    tpu.barrier barrier_id(%barrier3A_16)
    %mul3A_17 = arith.constant 632 : i32
    %mul3A_18 = arith.muli %arg1, %mul3A_17 : i32
    %mul3A_19 = arith.constant 632 : i32
    %mul3A_20 = arith.muli %arg1, %mul3A_19 : i32
    "tpu.region"() ({
      %run_scoped3A = tpu.sem_alloc : memref<!tpu.dma_semaphore, #tpu.memory_space<semaphore_mem>>
      %dma_start3A_21 = arith.constant 0 : i32
      %dma_start3A_22 = tpu.memref_slice %arg6[%arg0, %mul3A_20, %dma_start3A_21] : memref<2x10112x128xf32, #tpu.memory_space<hbm>> -> memref<1x632x128xf32, #tpu.memory_space<hbm>>
      %dma_start3A_23 = tpu.memref_squeeze %dma_start3A_22 : memref<1x632x128xf32, #tpu.memory_space<hbm>> -> memref<632x128xf32, #tpu.memory_space<hbm>>
      %dma_start3A_24 = arith.constant 0 : i32
      %dma_start3A_25 = tpu.memref_slice %arg12[%mul3A_18, %dma_start3A_24] : memref<10112x128xf32, #tpu.memory_space<vmem_shared>> -> memref<632x128xf32, #tpu.memory_space<vmem_shared>>
      tpu.enqueue_dma source(%dma_start3A_25 : memref<632x128xf32, #tpu.memory_space<vmem_shared>>) target(%dma_start3A_23 : memref<632x128xf32, #tpu.memory_space<hbm>>) target_semaphore(%run_scoped3A : memref<!tpu.dma_semaphore, #tpu.memory_space<semaphore_mem>>)
      %dma_wait3A = arith.constant 0 : i32
      %dma_wait3A_26 = tpu.memref_slice %arg6[%arg0, %mul3A_20, %dma_wait3A] : memref<2x10112x128xf32, #tpu.memory_space<hbm>> -> memref<1x632x128xf32, #tpu.memory_space<hbm>>
      %dma_wait3A_27 = tpu.memref_squeeze %dma_wait3A_26 : memref<1x632x128xf32, #tpu.memory_space<hbm>> -> memref<632x128xf32, #tpu.memory_space<hbm>>
      %dma_wait3A_28 = arith.constant 0 : i32
      %dma_wait3A_29 = tpu.memref_slice %arg12[%mul3A_18, %dma_wait3A_28] : memref<10112x128xf32, #tpu.memory_space<vmem_shared>> -> memref<632x128xf32, #tpu.memory_space<vmem_shared>>
      tpu.wait_dma2 semaphore(%run_scoped3A : memref<!tpu.dma_semaphore, #tpu.memory_space<semaphore_mem>>) src(%dma_wait3A_29 : memref<632x128xf32, #tpu.memory_space<vmem_shared>>) dst(%dma_wait3A_27 : memref<632x128xf32, #tpu.memory_space<hbm>>)
      tpu.yield
    }) : () -> ()
    return
  }
}

#map = affine_map<(d0, d1) -> (0)>
#map1 = affine_map<(d0, d1) -> (0, 0)>
#map2 = affine_map<(d0, d1) -> (0, 0, 0)>
module attributes {stable_mosaic.version = 14 : i64} {
  func.func @_scat(%arg0: i32, %arg1: i32, %arg2: memref<327680xi32, #tpu.memory_space<hbm>>, %arg3: memref<2560x128xi32, #tpu.memory_space<hbm>>, %arg4: memref<10000x128xf32, #tpu.memory_space<hbm>>, %arg5: memref<10112x128xf32, #tpu.memory_space<hbm>>, %arg6: memref<2x10112x128xf32, #tpu.memory_space<hbm>>, %arg7: memref<128xi32, #tpu.memory_space<vmem>>, %arg8: memref<128xi32, #tpu.memory_space<vmem>>, %arg9: memref<80x128xi32, #tpu.memory_space<vmem>>, %arg10: memref<128x128xf32, #tpu.memory_space<vmem>>, %arg11: memref<128x128xf32, #tpu.memory_space<vmem>>, %arg12: memref<10112x128xf32, #tpu.memory_space<vmem_shared>>, %arg13: memref<!tpu.dma_semaphore, #tpu.memory_space<semaphore_mem>>) attributes {dimension_semantics = [#tpu.dimension_semantics<core_parallel>, #tpu.dimension_semantics<subcore_parallel>], iteration_bounds = array<i64: 2, 16>, scalar_prefetch = 0 : i64, scratch_operands = 7 : i64, tpu.core_type = #tpu.core_type<sc_vector_subcore>, window_params = [{transform_indices = #map}, {transform_indices = #map1}, {transform_indices = #map1}, {transform_indices = #map1}, {transform_indices = #map2}]} {
    %mul3A = arith.constant 16 : i32
    %mul3A_0 = arith.muli %arg0, %mul3A : i32
    %add3A = arith.addi %mul3A_0, %arg1 : i32
    %mul3A_1 = arith.constant 10240 : i32
    %mul3A_2 = arith.muli %add3A, %mul3A_1 : i32
    %mul3A_3 = arith.constant 80 : i32
    %mul3A_4 = arith.muli %add3A, %mul3A_3 : i32
    "tpu.region"() ({
      %run_scoped3A = tpu.sem_alloc : memref<!tpu.dma_semaphore, #tpu.memory_space<semaphore_mem>>
      %dma_start3A_21 = arith.constant 0 : i32
      %dma_start3A_22 = tpu.memref_slice %arg3[%mul3A_4, %dma_start3A_21] : memref<2560x128xi32, #tpu.memory_space<hbm>> -> memref<80x128xi32, #tpu.memory_space<hbm>>
      %dma_start3A_23 = arith.constant 0 : i32
      %dma_start3A_24 = tpu.memref_slice %arg3[%mul3A_4, %dma_start3A_23] : memref<2560x128xi32, #tpu.memory_space<hbm>> -> memref<80x128xi32, #tpu.memory_space<hbm>>
      tpu.enqueue_dma source(%dma_start3A_24 : memref<80x128xi32, #tpu.memory_space<hbm>>) target(%arg9 : memref<80x128xi32, #tpu.memory_space<vmem>>) target_semaphore(%run_scoped3A : memref<!tpu.dma_semaphore, #tpu.memory_space<semaphore_mem>>)
      %dma_wait3A = arith.constant 0 : i32
      %dma_wait3A_25 = tpu.memref_slice %arg3[%mul3A_4, %dma_wait3A] : memref<2560x128xi32, #tpu.memory_space<hbm>> -> memref<80x128xi32, #tpu.memory_space<hbm>>
      %dma_wait3A_26 = arith.constant 0 : i32
      %dma_wait3A_27 = tpu.memref_slice %arg3[%mul3A_4, %dma_wait3A_26] : memref<2560x128xi32, #tpu.memory_space<hbm>> -> memref<80x128xi32, #tpu.memory_space<hbm>>
      tpu.wait_dma2 semaphore(%run_scoped3A : memref<!tpu.dma_semaphore, #tpu.memory_space<semaphore_mem>>) src(%dma_wait3A_27 : memref<80x128xi32, #tpu.memory_space<hbm>>) dst(%arg9 : memref<80x128xi32, #tpu.memory_space<vmem>>)
      tpu.yield
    }) : () -> ()
    %mul3A_5 = arith.constant 632 : i32
    %mul3A_6 = arith.muli %arg1, %mul3A_5 : i32
    %mul3A_7 = arith.constant 632 : i32
    %mul3A_8 = arith.muli %arg1, %mul3A_7 : i32
    "tpu.region"() ({
      %run_scoped3A = tpu.sem_alloc : memref<!tpu.dma_semaphore, #tpu.memory_space<semaphore_mem>>
      %dma_start3A_21 = arith.constant 0 : i32
      %dma_start3A_22 = tpu.memref_slice %arg12[%mul3A_8, %dma_start3A_21] : memref<10112x128xf32, #tpu.memory_space<vmem_shared>> -> memref<632x128xf32, #tpu.memory_space<vmem_shared>>
      %dma_start3A_23 = arith.constant 0 : i32
      %dma_start3A_24 = tpu.memref_slice %arg5[%mul3A_6, %dma_start3A_23] : memref<10112x128xf32, #tpu.memory_space<hbm>> -> memref<632x128xf32, #tpu.memory_space<hbm>>
      tpu.enqueue_dma source(%dma_start3A_24 : memref<632x128xf32, #tpu.memory_space<hbm>>) target(%dma_start3A_22 : memref<632x128xf32, #tpu.memory_space<vmem_shared>>) target_semaphore(%run_scoped3A : memref<!tpu.dma_semaphore, #tpu.memory_space<semaphore_mem>>)
      %dma_wait3A = arith.constant 0 : i32
      %dma_wait3A_25 = tpu.memref_slice %arg12[%mul3A_8, %dma_wait3A] : memref<10112x128xf32, #tpu.memory_space<vmem_shared>> -> memref<632x128xf32, #tpu.memory_space<vmem_shared>>
      %dma_wait3A_26 = arith.constant 0 : i32
      %dma_wait3A_27 = tpu.memref_slice %arg5[%mul3A_6, %dma_wait3A_26] : memref<10112x128xf32, #tpu.memory_space<hbm>> -> memref<632x128xf32, #tpu.memory_space<hbm>>
      tpu.wait_dma2 semaphore(%run_scoped3A : memref<!tpu.dma_semaphore, #tpu.memory_space<semaphore_mem>>) src(%dma_wait3A_27 : memref<632x128xf32, #tpu.memory_space<hbm>>) dst(%dma_wait3A_25 : memref<632x128xf32, #tpu.memory_space<vmem_shared>>)
      tpu.yield
    }) : () -> ()
    %barrier3A = arith.constant 0 : index
    tpu.barrier barrier_id(%barrier3A)
    "tpu.region"() ({
      %run_scoped3A = tpu.sem_alloc : memref<!tpu.dma_semaphore, #tpu.memory_space<semaphore_mem>>
      %dma_start3A_21 = tpu.memref_slice %arg2[%mul3A_2] : memref<327680xi32, #tpu.memory_space<hbm>> -> memref<128xi32, #tpu.memory_space<hbm>>
      %dma_start3A_22 = tpu.memref_slice %arg2[%mul3A_2] : memref<327680xi32, #tpu.memory_space<hbm>> -> memref<128xi32, #tpu.memory_space<hbm>>
      tpu.enqueue_dma source(%dma_start3A_22 : memref<128xi32, #tpu.memory_space<hbm>>) target(%arg7 : memref<128xi32, #tpu.memory_space<vmem>>) target_semaphore(%run_scoped3A : memref<!tpu.dma_semaphore, #tpu.memory_space<semaphore_mem>>)
      %dma_wait3A = tpu.memref_slice %arg2[%mul3A_2] : memref<327680xi32, #tpu.memory_space<hbm>> -> memref<128xi32, #tpu.memory_space<hbm>>
      %dma_wait3A_23 = tpu.memref_slice %arg2[%mul3A_2] : memref<327680xi32, #tpu.memory_space<hbm>> -> memref<128xi32, #tpu.memory_space<hbm>>
      tpu.wait_dma2 semaphore(%run_scoped3A : memref<!tpu.dma_semaphore, #tpu.memory_space<semaphore_mem>>) src(%dma_wait3A_23 : memref<128xi32, #tpu.memory_space<hbm>>) dst(%arg7 : memref<128xi32, #tpu.memory_space<vmem>>)
      tpu.yield
    }) : () -> ()
    %dma_start3A = arith.constant 0 : i32
    %dma_start3A_9 = arith.constant 0 : i32
    %dma_start3A_10 = tpu.memref_slice %arg4[%dma_start3A, %dma_start3A_9] : memref<10000x128xf32, #tpu.memory_space<hbm>> -> memref<10000x128xf32, #tpu.memory_space<hbm>>
    tpu.enqueue_indirect_dma source(%dma_start3A_10 : memref<10000x128xf32, #tpu.memory_space<hbm>>) target(%arg10 : memref<128x128xf32, #tpu.memory_space<vmem>>) offsets(%arg7 : memref<128xi32, #tpu.memory_space<vmem>>) semaphore(%arg13 : memref<!tpu.dma_semaphore, #tpu.memory_space<semaphore_mem>>)
    %scan3A = arith.constant 0 : i32
    %scan3A_11 = arith.constant 0 : i32
    %scan3A_12 = arith.constant 40 : i32
    %scan3A_13 = arith.addi %scan3A_11, %scan3A_12 : i32
    %scan3A_14 = arith.constant 1 : i32
    scf.for %scan3A_21 = %scan3A_11 to %scan3A_13 step %scan3A_14  : i32 {
      %mul3A_22 = arith.constant 2 : i32
      %mul3A_23 = arith.muli %mul3A_22, %scan3A_21 : i32
      %add3A_24 = arith.constant 1 : i32
      %add3A_25 = arith.addi %mul3A_23, %add3A_24 : i32
      %mul3A_26 = arith.constant 128 : i32
      %mul3A_27 = arith.muli %add3A_25, %mul3A_26 : i32
      %add3A_28 = arith.addi %mul3A_2, %mul3A_27 : i32
      "tpu.region"() ({
        %run_scoped3A = tpu.sem_alloc : memref<!tpu.dma_semaphore, #tpu.memory_space<semaphore_mem>>
        %dma_start3A_46 = tpu.memref_slice %arg2[%add3A_28] : memref<327680xi32, #tpu.memory_space<hbm>> -> memref<128xi32, #tpu.memory_space<hbm>>
        %dma_start3A_47 = tpu.memref_slice %arg2[%add3A_28] : memref<327680xi32, #tpu.memory_space<hbm>> -> memref<128xi32, #tpu.memory_space<hbm>>
        tpu.enqueue_dma source(%dma_start3A_47 : memref<128xi32, #tpu.memory_space<hbm>>) target(%arg8 : memref<128xi32, #tpu.memory_space<vmem>>) target_semaphore(%run_scoped3A : memref<!tpu.dma_semaphore, #tpu.memory_space<semaphore_mem>>)
        %dma_wait3A_48 = tpu.memref_slice %arg2[%add3A_28] : memref<327680xi32, #tpu.memory_space<hbm>> -> memref<128xi32, #tpu.memory_space<hbm>>
        %dma_wait3A_49 = tpu.memref_slice %arg2[%add3A_28] : memref<327680xi32, #tpu.memory_space<hbm>> -> memref<128xi32, #tpu.memory_space<hbm>>
        tpu.wait_dma2 semaphore(%run_scoped3A : memref<!tpu.dma_semaphore, #tpu.memory_space<semaphore_mem>>) src(%dma_wait3A_49 : memref<128xi32, #tpu.memory_space<hbm>>) dst(%arg8 : memref<128xi32, #tpu.memory_space<vmem>>)
        tpu.yield
      }) : () -> ()
      %dma_wait3A = arith.constant 0 : i32
      %dma_wait3A_29 = arith.constant 0 : i32
      %dma_wait3A_30 = tpu.memref_slice %arg4[%dma_wait3A, %dma_wait3A_29] : memref<10000x128xf32, #tpu.memory_space<hbm>> -> memref<10000x128xf32, #tpu.memory_space<hbm>>
      tpu.wait_indirect_dma semaphore(%arg13 : memref<!tpu.dma_semaphore, #tpu.memory_space<semaphore_mem>>) src(%dma_wait3A_30 : memref<10000x128xf32, #tpu.memory_space<hbm>>) dst(%arg10 : memref<128x128xf32, #tpu.memory_space<vmem>>)
      %dma_start3A_31 = arith.constant 0 : i32
      %dma_start3A_32 = arith.constant 0 : i32
      %dma_start3A_33 = tpu.memref_slice %arg4[%dma_start3A_31, %dma_start3A_32] : memref<10000x128xf32, #tpu.memory_space<hbm>> -> memref<10000x128xf32, #tpu.memory_space<hbm>>
      tpu.enqueue_indirect_dma source(%dma_start3A_33 : memref<10000x128xf32, #tpu.memory_space<hbm>>) target(%arg11 : memref<128x128xf32, #tpu.memory_space<vmem>>) offsets(%arg8 : memref<128xi32, #tpu.memory_space<vmem>>) semaphore(%arg13 : memref<!tpu.dma_semaphore, #tpu.memory_space<semaphore_mem>>)
      "tpu.region"() ({
        %run_scoped3A = tpu.sem_alloc : memref<!tpu.dma_semaphore, #tpu.memory_space<semaphore_mem>>
        %dma_start3A_46 = arith.constant 0 : i32
        %dma_start3A_47 = tpu.memref_slice %arg9[%mul3A_23, %dma_start3A_46] : memref<80x128xi32, #tpu.memory_space<vmem>> -> memref<1x128xi32, #tpu.memory_space<vmem>>
        %dma_start3A_48 = tpu.memref_squeeze %dma_start3A_47 : memref<1x128xi32, #tpu.memory_space<vmem>> -> memref<128xi32, #tpu.memory_space<vmem>>
        %dma_start3A_49 = arith.constant 0 : i32
        %dma_start3A_50 = arith.constant 0 : i32
        %dma_start3A_51 = tpu.memref_slice %arg12[%dma_start3A_49, %dma_start3A_50] : memref<10112x128xf32, #tpu.memory_space<vmem_shared>> -> memref<10112x128xf32, #tpu.memory_space<vmem_shared>>
        tpu.enqueue_indirect_dma source(%arg10 : memref<128x128xf32, #tpu.memory_space<vmem>>) target(%dma_start3A_51 : memref<10112x128xf32, #tpu.memory_space<vmem_shared>>) offsets(%dma_start3A_48 : memref<128xi32, #tpu.memory_space<vmem>>) semaphore(%run_scoped3A : memref<!tpu.dma_semaphore, #tpu.memory_space<semaphore_mem>>) {add = true}
        %dma_wait3A_52 = arith.constant 0 : i32
        %dma_wait3A_53 = tpu.memref_slice %arg9[%mul3A_23, %dma_wait3A_52] : memref<80x128xi32, #tpu.memory_space<vmem>> -> memref<1x128xi32, #tpu.memory_space<vmem>>
        %dma_wait3A_54 = tpu.memref_squeeze %dma_wait3A_53 : memref<1x128xi32, #tpu.memory_space<vmem>> -> memref<128xi32, #tpu.memory_space<vmem>>
        %dma_wait3A_55 = arith.constant 0 : i32
        %dma_wait3A_56 = arith.constant 0 : i32
        %dma_wait3A_57 = tpu.memref_slice %arg12[%dma_wait3A_55, %dma_wait3A_56] : memref<10112x128xf32, #tpu.memory_space<vmem_shared>> -> memref<10112x128xf32, #tpu.memory_space<vmem_shared>>
        tpu.wait_indirect_dma semaphore(%run_scoped3A : memref<!tpu.dma_semaphore, #tpu.memory_space<semaphore_mem>>) src(%arg10 : memref<128x128xf32, #tpu.memory_space<vmem>>) dst(%dma_wait3A_57 : memref<10112x128xf32, #tpu.memory_space<vmem_shared>>)
        tpu.yield
      }) : () -> ()
      %lt3A = arith.constant 39 : i32
      %lt3A_34 = arith.cmpi slt, %scan3A_21, %lt3A : i32
      %convert_element_type3A = arith.extui %lt3A_34 : i1 to i32
      %cond3A = arith.constant 0 : i32
      %cond3A_35 = arith.cmpi ne, %convert_element_type3A, %cond3A : i32
      scf.if %cond3A_35 {
        %add3A_46 = arith.constant 2 : i32
        %add3A_47 = arith.addi %mul3A_23, %add3A_46 : i32
        %mul3A_48 = arith.constant 128 : i32
        %mul3A_49 = arith.muli %add3A_47, %mul3A_48 : i32
        %add3A_50 = arith.addi %mul3A_2, %mul3A_49 : i32
        "tpu.region"() ({
          %run_scoped3A = tpu.sem_alloc : memref<!tpu.dma_semaphore, #tpu.memory_space<semaphore_mem>>
          %dma_start3A_51 = tpu.memref_slice %arg2[%add3A_50] : memref<327680xi32, #tpu.memory_space<hbm>> -> memref<128xi32, #tpu.memory_space<hbm>>
          %dma_start3A_52 = tpu.memref_slice %arg2[%add3A_50] : memref<327680xi32, #tpu.memory_space<hbm>> -> memref<128xi32, #tpu.memory_space<hbm>>
          tpu.enqueue_dma source(%dma_start3A_52 : memref<128xi32, #tpu.memory_space<hbm>>) target(%arg7 : memref<128xi32, #tpu.memory_space<vmem>>) target_semaphore(%run_scoped3A : memref<!tpu.dma_semaphore, #tpu.memory_space<semaphore_mem>>)
          %dma_wait3A_53 = tpu.memref_slice %arg2[%add3A_50] : memref<327680xi32, #tpu.memory_space<hbm>> -> memref<128xi32, #tpu.memory_space<hbm>>
          %dma_wait3A_54 = tpu.memref_slice %arg2[%add3A_50] : memref<327680xi32, #tpu.memory_space<hbm>> -> memref<128xi32, #tpu.memory_space<hbm>>
          tpu.wait_dma2 semaphore(%run_scoped3A : memref<!tpu.dma_semaphore, #tpu.memory_space<semaphore_mem>>) src(%dma_wait3A_54 : memref<128xi32, #tpu.memory_space<hbm>>) dst(%arg7 : memref<128xi32, #tpu.memory_space<vmem>>)
          tpu.yield
        }) : () -> ()
      } else {
      }
      %dma_wait3A_36 = arith.constant 0 : i32
      %dma_wait3A_37 = arith.constant 0 : i32
      %dma_wait3A_38 = tpu.memref_slice %arg4[%dma_wait3A_36, %dma_wait3A_37] : memref<10000x128xf32, #tpu.memory_space<hbm>> -> memref<10000x128xf32, #tpu.memory_space<hbm>>
      tpu.wait_indirect_dma semaphore(%arg13 : memref<!tpu.dma_semaphore, #tpu.memory_space<semaphore_mem>>) src(%dma_wait3A_38 : memref<10000x128xf32, #tpu.memory_space<hbm>>) dst(%arg11 : memref<128x128xf32, #tpu.memory_space<vmem>>)
      %lt3A_39 = arith.constant 39 : i32
      %lt3A_40 = arith.cmpi slt, %scan3A_21, %lt3A_39 : i32
      %convert_element_type3A_41 = arith.extui %lt3A_40 : i1 to i32
      %cond3A_42 = arith.constant 0 : i32
      %cond3A_43 = arith.cmpi ne, %convert_element_type3A_41, %cond3A_42 : i32
      scf.if %cond3A_43 {
        %dma_start3A_46 = arith.constant 0 : i32
        %dma_start3A_47 = arith.constant 0 : i32
        %dma_start3A_48 = tpu.memref_slice %arg4[%dma_start3A_46, %dma_start3A_47] : memref<10000x128xf32, #tpu.memory_space<hbm>> -> memref<10000x128xf32, #tpu.memory_space<hbm>>
        tpu.enqueue_indirect_dma source(%dma_start3A_48 : memref<10000x128xf32, #tpu.memory_space<hbm>>) target(%arg10 : memref<128x128xf32, #tpu.memory_space<vmem>>) offsets(%arg7 : memref<128xi32, #tpu.memory_space<vmem>>) semaphore(%arg13 : memref<!tpu.dma_semaphore, #tpu.memory_space<semaphore_mem>>)
      } else {
      }
      %add3A_44 = arith.constant 1 : i32
      %add3A_45 = arith.addi %mul3A_23, %add3A_44 : i32
      "tpu.region"() ({
        %run_scoped3A = tpu.sem_alloc : memref<!tpu.dma_semaphore, #tpu.memory_space<semaphore_mem>>
        %dma_start3A_46 = arith.constant 0 : i32
        %dma_start3A_47 = tpu.memref_slice %arg9[%add3A_45, %dma_start3A_46] : memref<80x128xi32, #tpu.memory_space<vmem>> -> memref<1x128xi32, #tpu.memory_space<vmem>>
        %dma_start3A_48 = tpu.memref_squeeze %dma_start3A_47 : memref<1x128xi32, #tpu.memory_space<vmem>> -> memref<128xi32, #tpu.memory_space<vmem>>
        %dma_start3A_49 = arith.constant 0 : i32
        %dma_start3A_50 = arith.constant 0 : i32
        %dma_start3A_51 = tpu.memref_slice %arg12[%dma_start3A_49, %dma_start3A_50] : memref<10112x128xf32, #tpu.memory_space<vmem_shared>> -> memref<10112x128xf32, #tpu.memory_space<vmem_shared>>
        tpu.enqueue_indirect_dma source(%arg11 : memref<128x128xf32, #tpu.memory_space<vmem>>) target(%dma_start3A_51 : memref<10112x128xf32, #tpu.memory_space<vmem_shared>>) offsets(%dma_start3A_48 : memref<128xi32, #tpu.memory_space<vmem>>) semaphore(%run_scoped3A : memref<!tpu.dma_semaphore, #tpu.memory_space<semaphore_mem>>) {add = true}
        %dma_wait3A_52 = arith.constant 0 : i32
        %dma_wait3A_53 = tpu.memref_slice %arg9[%add3A_45, %dma_wait3A_52] : memref<80x128xi32, #tpu.memory_space<vmem>> -> memref<1x128xi32, #tpu.memory_space<vmem>>
        %dma_wait3A_54 = tpu.memref_squeeze %dma_wait3A_53 : memref<1x128xi32, #tpu.memory_space<vmem>> -> memref<128xi32, #tpu.memory_space<vmem>>
        %dma_wait3A_55 = arith.constant 0 : i32
        %dma_wait3A_56 = arith.constant 0 : i32
        %dma_wait3A_57 = tpu.memref_slice %arg12[%dma_wait3A_55, %dma_wait3A_56] : memref<10112x128xf32, #tpu.memory_space<vmem_shared>> -> memref<10112x128xf32, #tpu.memory_space<vmem_shared>>
        tpu.wait_indirect_dma semaphore(%run_scoped3A : memref<!tpu.dma_semaphore, #tpu.memory_space<semaphore_mem>>) src(%arg11 : memref<128x128xf32, #tpu.memory_space<vmem>>) dst(%dma_wait3A_57 : memref<10112x128xf32, #tpu.memory_space<vmem_shared>>)
        tpu.yield
      }) : () -> ()
    }
    %scan3A_15 = arith.constant 40 : i32
    %barrier3A_16 = arith.constant 0 : index
    tpu.barrier barrier_id(%barrier3A_16)
    %mul3A_17 = arith.constant 632 : i32
    %mul3A_18 = arith.muli %arg1, %mul3A_17 : i32
    %mul3A_19 = arith.constant 632 : i32
    %mul3A_20 = arith.muli %arg1, %mul3A_19 : i32
    "tpu.region"() ({
      %run_scoped3A = tpu.sem_alloc : memref<!tpu.dma_semaphore, #tpu.memory_space<semaphore_mem>>
      %dma_start3A_21 = arith.constant 0 : i32
      %dma_start3A_22 = tpu.memref_slice %arg6[%arg0, %mul3A_20, %dma_start3A_21] : memref<2x10112x128xf32, #tpu.memory_space<hbm>> -> memref<1x632x128xf32, #tpu.memory_space<hbm>>
      %dma_start3A_23 = tpu.memref_squeeze %dma_start3A_22 : memref<1x632x128xf32, #tpu.memory_space<hbm>> -> memref<632x128xf32, #tpu.memory_space<hbm>>
      %dma_start3A_24 = arith.constant 0 : i32
      %dma_start3A_25 = tpu.memref_slice %arg12[%mul3A_18, %dma_start3A_24] : memref<10112x128xf32, #tpu.memory_space<vmem_shared>> -> memref<632x128xf32, #tpu.memory_space<vmem_shared>>
      tpu.enqueue_dma source(%dma_start3A_25 : memref<632x128xf32, #tpu.memory_space<vmem_shared>>) target(%dma_start3A_23 : memref<632x128xf32, #tpu.memory_space<hbm>>) target_semaphore(%run_scoped3A : memref<!tpu.dma_semaphore, #tpu.memory_space<semaphore_mem>>)
      %dma_wait3A = arith.constant 0 : i32
      %dma_wait3A_26 = tpu.memref_slice %arg6[%arg0, %mul3A_20, %dma_wait3A] : memref<2x10112x128xf32, #tpu.memory_space<hbm>> -> memref<1x632x128xf32, #tpu.memory_space<hbm>>
      %dma_wait3A_27 = tpu.memref_squeeze %dma_wait3A_26 : memref<1x632x128xf32, #tpu.memory_space<hbm>> -> memref<632x128xf32, #tpu.memory_space<hbm>>
      %dma_wait3A_28 = arith.constant 0 : i32
      %dma_wait3A_29 = tpu.memref_slice %arg12[%mul3A_18, %dma_wait3A_28] : memref<10112x128xf32, #tpu.memory_space<vmem_shared>> -> memref<632x128xf32, #tpu.memory_space<vmem_shared>>
      tpu.wait_dma2 semaphore(%run_scoped3A : memref<!tpu.dma_semaphore, #tpu.memory_space<semaphore_mem>>) src(%dma_wait3A_29 : memref<632x128xf32, #tpu.memory_space<vmem_shared>>) dst(%dma_wait3A_27 : memref<632x128xf32, #tpu.memory_space<hbm>>)
      tpu.yield
    }) : () -> ()
    return
  }
}

module attributes {stable_mosaic.version = 14 : i64} {
  func.func @_dinv_body(%arg0: memref<2x10112x16xf32, #tpu.memory_space<vmem>>, %arg1: memref<10112x128xf32, #tpu.memory_space<vmem>>) attributes {dimension_semantics = [], scalar_prefetch = 0 : i64, scratch_operands = 0 : i64, tpu.core_type = #tpu.core_type<tc>} {
    %get3A = arith.constant 0 : index
    %get3A_0 = arith.constant 0 : index
    %get3A_1 = arith.constant 0 : index
    %get3A_2 = vector.load %arg0[%get3A, %get3A_0, %get3A_1] : memref<2x10112x16xf32, #tpu.memory_space<vmem>>, vector<1x10112x1xf32>
    %get3A_3 = vector.shape_cast %get3A_2 : vector<1x10112x1xf32> to vector<10112x1xf32>
    %get3A_4 = arith.constant 1 : index
    %get3A_5 = arith.constant 0 : index
    %get3A_6 = arith.constant 0 : index
    %get3A_7 = vector.load %arg0[%get3A_4, %get3A_5, %get3A_6] : memref<2x10112x16xf32, #tpu.memory_space<vmem>>, vector<1x10112x1xf32>
    %get3A_8 = vector.shape_cast %get3A_7 : vector<1x10112x1xf32> to vector<10112x1xf32>
    %add3A = arith.addf %get3A_3, %get3A_8 : vector<10112x1xf32>
    %add3A_9 = arith.constant 1.000000e+00 : f32
    %add3A_10 = vector.broadcast %add3A_9 : f32 to vector<10112x1xf32>
    %add3A_11 = arith.addf %add3A, %add3A_10 : vector<10112x1xf32>
    %rsqrt3A = math.rsqrt %add3A_11 : vector<10112x1xf32>
    %broadcast_in_dim3A = vector.shape_cast %rsqrt3A : vector<10112x1xf32> to vector<10112x1xf32>
    %broadcast_in_dim3A_12 = vector.broadcast %broadcast_in_dim3A : vector<10112x1xf32> to vector<10112x128xf32>
    %swap3A = arith.constant 0 : index
    %swap3A_13 = arith.constant 0 : index
    %swap3A_14 = vector.load %arg1[%swap3A, %swap3A_13] : memref<10112x128xf32, #tpu.memory_space<vmem>>, vector<10112x128xf32>
    tpu.vector_store %arg1[%swap3A, %swap3A_13], %broadcast_in_dim3A_12 {strides = array<i32>} : memref<10112x128xf32, #tpu.memory_space<vmem>>, vector<10112x128xf32>,
    return
  }
}

module attributes {stable_mosaic.version = 14 : i64} {
  func.func @_mm_body(%arg0: i32, %arg1: memref<1000x128xf32, #tpu.memory_space<vmem>>, %arg2: memref<1000x128xf32, #tpu.memory_space<vmem>>, %arg3: memref<128x128xf32, #tpu.memory_space<vmem>>, %arg4: memref<1000x128xf32, #tpu.memory_space<vmem>>) attributes {dimension_semantics = [#tpu.dimension_semantics<arbitrary>], iteration_bounds = array<i64: 10>, scalar_prefetch = 0 : i64, scratch_operands = 0 : i64, tpu.core_type = #tpu.core_type<tc>, window_params = [{transform_indices = @transform_0, window_bounds = array<i64: 1000, 128>}, {transform_indices = @transform_1, window_bounds = array<i64: 1000, 128>}, {pipeline_mode = #tpu.pipeline_mode<synchronous>, transform_indices = @transform_2, window_bounds = array<i64: 128, 128>}, {transform_indices = @transform_3, window_bounds = array<i64: 1000, 128>}]} {
    %get3A = arith.constant 0 : index
    %get3A_0 = arith.constant 0 : index
    %get3A_1 = vector.load %arg2[%get3A, %get3A_0] : memref<1000x128xf32, #tpu.memory_space<vmem>>, vector<1000x128xf32>
    %get3A_2 = arith.constant 0 : index
    %get3A_3 = arith.constant 0 : index
    %get3A_4 = vector.load %arg1[%get3A_2, %get3A_3] : memref<1000x128xf32, #tpu.memory_space<vmem>>, vector<1000x128xf32>
    %get3A_5 = arith.constant 0 : index
    %get3A_6 = arith.constant 0 : index
    %get3A_7 = vector.load %arg3[%get3A_5, %get3A_6] : memref<128x128xf32, #tpu.memory_space<vmem>>, vector<128x128xf32>
    %dot_general3A = arith.constant dense<0.000000e+00> : vector<1000x128xf32>
    %dot_general3A_8 = tpu.matmul %get3A_4, %get3A_7, %dot_general3A {dimension_numbers = #tpu.dot_dimension_numbers<[1], [0], [0], [1], [0, 0, 1, 1], [], []>, transpose_lhs_hint = false} : vector<1000x128xf32>, vector<128x128xf32>, vector<1000x128xf32> -> vector<1000x128xf32>
    %mul3A = arith.mulf %get3A_1, %dot_general3A_8 : vector<1000x128xf32>
    %swap3A = arith.constant 0 : index
    %swap3A_9 = arith.constant 0 : index
    %swap3A_10 = vector.load %arg4[%swap3A, %swap3A_9] : memref<1000x128xf32, #tpu.memory_space<vmem>>, vector<1000x128xf32>
    tpu.vector_store %arg4[%swap3A, %swap3A_9], %mul3A {strides = array<i32>} : memref<1000x128xf32, #tpu.memory_space<vmem>>, vector<1000x128xf32>,
    return
  }
  func.func @transform_0(%arg0: i32) -> (i32, i32) {
    %c0_i32 = arith.constant 0 : i32
    %c0_i32_0 = arith.constant 0 : i32
    return %arg0, %c0_i32 : i32, i32
  }
  func.func @transform_1(%arg0: i32) -> (i32, i32) {
    %c0_i32 = arith.constant 0 : i32
    %c0_i32_0 = arith.constant 0 : i32
    return %arg0, %c0_i32 : i32, i32
  }
  func.func @transform_2(%arg0: i32) -> (i32, i32) {
    %c0_i32 = arith.constant 0 : i32
    %c0_i32_0 = arith.constant 0 : i32
    %c0_i32_1 = arith.constant 0 : i32
    return %c0_i32, %c0_i32_0 : i32, i32
  }
  func.func @transform_3(%arg0: i32) -> (i32, i32) {
    %c0_i32 = arith.constant 0 : i32
    %c0_i32_0 = arith.constant 0 : i32
    return %arg0, %c0_i32 : i32, i32
  }
}

module attributes {stable_mosaic.version = 14 : i64} {
  func.func @_mid_body(%arg0: i32, %arg1: memref<1000x128xf32, #tpu.memory_space<vmem>>, %arg2: memref<1000x128xf32, #tpu.memory_space<vmem>>, %arg3: memref<1000x128xf32, #tpu.memory_space<vmem>>, %arg4: memref<1000x128xf32, #tpu.memory_space<vmem>>, %arg5: memref<1x128xf32, #tpu.memory_space<vmem>>, %arg6: memref<128x128xf32, #tpu.memory_space<vmem>>, %arg7: memref<1000x128xf32, #tpu.memory_space<vmem>>) attributes {dimension_semantics = [#tpu.dimension_semantics<arbitrary>], iteration_bounds = array<i64: 10>, scalar_prefetch = 0 : i64, scratch_operands = 0 : i64, tpu.core_type = #tpu.core_type<tc>, window_params = [{transform_indices = @transform_0, window_bounds = array<i64: 1000, 128>}, {transform_indices = @transform_1, window_bounds = array<i64: 1000, 128>}, {transform_indices = @transform_2, window_bounds = array<i64: 1000, 128>}, {transform_indices = @transform_3, window_bounds = array<i64: 1000, 128>}, {pipeline_mode = #tpu.pipeline_mode<synchronous>, transform_indices = @transform_4, window_bounds = array<i64: 1, 128>}, {pipeline_mode = #tpu.pipeline_mode<synchronous>, transform_indices = @transform_5, window_bounds = array<i64: 128, 128>}, {transform_indices = @transform_6, window_bounds = array<i64: 1000, 128>}]} {
    %get3A = arith.constant 0 : index
    %get3A_0 = arith.constant 0 : index
    %get3A_1 = vector.load %arg1[%get3A, %get3A_0] : memref<1000x128xf32, #tpu.memory_space<vmem>>, vector<1000x128xf32>
    %get3A_2 = arith.constant 0 : index
    %get3A_3 = arith.constant 0 : index
    %get3A_4 = vector.load %arg2[%get3A_2, %get3A_3] : memref<1000x128xf32, #tpu.memory_space<vmem>>, vector<1000x128xf32>
    %add3A = arith.addf %get3A_1, %get3A_4 : vector<1000x128xf32>
    %get3A_5 = arith.constant 0 : index
    %get3A_6 = arith.constant 0 : index
    %get3A_7 = vector.load %arg3[%get3A_5, %get3A_6] : memref<1000x128xf32, #tpu.memory_space<vmem>>, vector<1000x128xf32>
    %add3A_8 = arith.addf %add3A, %get3A_7 : vector<1000x128xf32>
    %get3A_9 = arith.constant 0 : index
    %get3A_10 = arith.constant 0 : index
    %get3A_11 = vector.load %arg4[%get3A_9, %get3A_10] : memref<1000x128xf32, #tpu.memory_space<vmem>>, vector<1000x128xf32>
    %mul3A = arith.mulf %get3A_11, %add3A_8 : vector<1000x128xf32>
    %get3A_12 = arith.constant 0 : index
    %get3A_13 = arith.constant 0 : index
    %get3A_14 = vector.load %arg5[%get3A_12, %get3A_13] : memref<1x128xf32, #tpu.memory_space<vmem>>, vector<1x128xf32>
    %add3A_15 = vector.broadcast %get3A_14 : vector<1x128xf32> to vector<1000x128xf32>
    %add3A_16 = arith.addf %mul3A, %add3A_15 : vector<1000x128xf32>
    %max3A = arith.constant 0.000000e+00 : f32
    %max3A_17 = vector.broadcast %max3A : f32 to vector<1000x128xf32>
    %max3A_18 = arith.maximumf %add3A_16, %max3A_17 : vector<1000x128xf32>
    %get3A_19 = arith.constant 0 : index
    %get3A_20 = arith.constant 0 : index
    %get3A_21 = vector.load %arg4[%get3A_19, %get3A_20] : memref<1000x128xf32, #tpu.memory_space<vmem>>, vector<1000x128xf32>
    %get3A_22 = arith.constant 0 : index
    %get3A_23 = arith.constant 0 : index
    %get3A_24 = vector.load %arg6[%get3A_22, %get3A_23] : memref<128x128xf32, #tpu.memory_space<vmem>>, vector<128x128xf32>
    %dot_general3A = arith.constant dense<0.000000e+00> : vector<1000x128xf32>
    %dot_general3A_25 = tpu.matmul %max3A_18, %get3A_24, %dot_general3A {dimension_numbers = #tpu.dot_dimension_numbers<[1], [0], [0], [1], [0, 0, 1, 1], [], []>, transpose_lhs_hint = false} : vector<1000x128xf32>, vector<128x128xf32>, vector<1000x128xf32> -> vector<1000x128xf32>
    %mul3A_26 = arith.mulf %get3A_21, %dot_general3A_25 : vector<1000x128xf32>
    %swap3A = arith.constant 0 : index
    %swap3A_27 = arith.constant 0 : index
    %swap3A_28 = vector.load %arg7[%swap3A, %swap3A_27] : memref<1000x128xf32, #tpu.memory_space<vmem>>, vector<1000x128xf32>
    tpu.vector_store %arg7[%swap3A, %swap3A_27], %mul3A_26 {strides = array<i32>} : memref<1000x128xf32, #tpu.memory_space<vmem>>, vector<1000x128xf32>,
    return
  }
  func.func @transform_0(%arg0: i32) -> (i32, i32) {
    %c0_i32 = arith.constant 0 : i32
    %c0_i32_0 = arith.constant 0 : i32
    return %arg0, %c0_i32 : i32, i32
  }
  func.func @transform_1(%arg0: i32) -> (i32, i32) {
    %c0_i32 = arith.constant 0 : i32
    %c0_i32_0 = arith.constant 0 : i32
    return %arg0, %c0_i32 : i32, i32
  }
  func.func @transform_2(%arg0: i32) -> (i32, i32) {
    %c0_i32 = arith.constant 0 : i32
    %c0_i32_0 = arith.constant 0 : i32
    return %arg0, %c0_i32 : i32, i32
  }
  func.func @transform_3(%arg0: i32) -> (i32, i32) {
    %c0_i32 = arith.constant 0 : i32
    %c0_i32_0 = arith.constant 0 : i32
    return %arg0, %c0_i32 : i32, i32
  }
  func.func @transform_4(%arg0: i32) -> (i32, i32) {
    %c0_i32 = arith.constant 0 : i32
    %c0_i32_0 = arith.constant 0 : i32
    %c0_i32_1 = arith.constant 0 : i32
    return %c0_i32, %c0_i32_0 : i32, i32
  }
  func.func @transform_5(%arg0: i32) -> (i32, i32) {
    %c0_i32 = arith.constant 0 : i32
    %c0_i32_0 = arith.constant 0 : i32
    %c0_i32_1 = arith.constant 0 : i32
    return %c0_i32, %c0_i32_0 : i32, i32
  }
  func.func @transform_6(%arg0: i32) -> (i32, i32) {
    %c0_i32 = arith.constant 0 : i32
    %c0_i32_0 = arith.constant 0 : i32
    return %arg0, %c0_i32 : i32, i32
  }
}

module attributes {stable_mosaic.version = 14 : i64} {
  func.func @_final_body(%arg0: i32, %arg1: memref<1000x128xf32, #tpu.memory_space<vmem>>, %arg2: memref<1000x128xf32, #tpu.memory_space<vmem>>, %arg3: memref<1000x128xf32, #tpu.memory_space<vmem>>, %arg4: memref<1000x128xf32, #tpu.memory_space<vmem>>, %arg5: memref<1x128xf32, #tpu.memory_space<vmem>>, %arg6: memref<1x1x1000xi32, #tpu.memory_space<vmem>>, %arg7: memref<128x128xf32, #tpu.memory_space<vmem>>, %arg8: memref<1x128xf32, #tpu.memory_space<vmem>>, %arg9: memref<128x64xf32, #tpu.memory_space<vmem>>, %arg10: memref<1x64xf32, #tpu.memory_space<vmem>>, %arg11: memref<64x64xf32, #tpu.memory_space<vmem>>, %arg12: memref<64x128xf32, #tpu.memory_space<vmem>>, %arg13: memref<64x128xf32, #tpu.memory_space<vmem>>) attributes {dimension_semantics = [#tpu.dimension_semantics<arbitrary>], iteration_bounds = array<i64: 10>, scalar_prefetch = 0 : i64, scratch_operands = 2 : i64, tpu.core_type = #tpu.core_type<tc>, window_params = [{transform_indices = @transform_0, window_bounds = array<i64: 1000, 128>}, {transform_indices = @transform_1, window_bounds = array<i64: 1000, 128>}, {transform_indices = @transform_2, window_bounds = array<i64: 1000, 128>}, {transform_indices = @transform_3, window_bounds = array<i64: 1000, 128>}, {pipeline_mode = #tpu.pipeline_mode<synchronous>, transform_indices = @transform_4, window_bounds = array<i64: 1, 128>}, {transform_indices = @transform_5, window_bounds = array<i64: 1, 1, 1000>}, {pipeline_mode = #tpu.pipeline_mode<synchronous>, transform_indices = @transform_6, window_bounds = array<i64: 128, 128>}, {pipeline_mode = #tpu.pipeline_mode<synchronous>, transform_indices = @transform_7, window_bounds = array<i64: 1, 128>}, {pipeline_mode = #tpu.pipeline_mode<synchronous>, transform_indices = @transform_8, window_bounds = array<i64: 128, 64>}, {pipeline_mode = #tpu.pipeline_mode<synchronous>, transform_indices = @transform_9, window_bounds = array<i64: 1, 64>}, {pipeline_mode = #tpu.pipeline_mode<synchronous>, transform_indices = @transform_10, window_bounds = array<i64: 64, 64>}]} {
    %eq3A = arith.constant 0 : i32
    %eq3A_0 = arith.cmpi eq, %arg0, %eq3A : i32
    %convert_element_type3A = arith.extui %eq3A_0 : i1 to i32
    %cond3A = arith.constant 0 : i32
    %cond3A_1 = arith.cmpi ne, %convert_element_type3A, %cond3A : i32
    scf.if %cond3A_1 {
      %broadcast_in_dim3A_52 = arith.constant 0.000000e+00 : f32
      %broadcast_in_dim3A_53 = vector.broadcast %broadcast_in_dim3A_52 : f32 to vector<64x128xf32>
      %swap3A_54 = arith.constant 0 : index
      %swap3A_55 = arith.constant 0 : index
      %swap3A_56 = vector.load %arg12[%swap3A_54, %swap3A_55] : memref<64x128xf32, #tpu.memory_space<vmem>>, vector<64x128xf32>
      tpu.vector_store %arg12[%swap3A_54, %swap3A_55], %broadcast_in_dim3A_53 {strides = array<i32>} : memref<64x128xf32, #tpu.memory_space<vmem>>, vector<64x128xf32>,
      %broadcast_in_dim3A_57 = arith.constant 0.000000e+00 : f32
      %broadcast_in_dim3A_58 = vector.broadcast %broadcast_in_dim3A_57 : f32 to vector<64x128xf32>
      %swap3A_59 = arith.constant 0 : index
      %swap3A_60 = arith.constant 0 : index
      %swap3A_61 = vector.load %arg13[%swap3A_59, %swap3A_60] : memref<64x128xf32, #tpu.memory_space<vmem>>, vector<64x128xf32>
      tpu.vector_store %arg13[%swap3A_59, %swap3A_60], %broadcast_in_dim3A_58 {strides = array<i32>} : memref<64x128xf32, #tpu.memory_space<vmem>>, vector<64x128xf32>,
    } else {
    }
    %get3A = arith.constant 0 : index
    %get3A_2 = arith.constant 0 : index
    %get3A_3 = vector.load %arg1[%get3A, %get3A_2] : memref<1000x128xf32, #tpu.memory_space<vmem>>, vector<1000x128xf32>
    %get3A_4 = arith.constant 0 : index
    %get3A_5 = arith.constant 0 : index
    %get3A_6 = vector.load %arg2[%get3A_4, %get3A_5] : memref<1000x128xf32, #tpu.memory_space<vmem>>, vector<1000x128xf32>
    %add3A = arith.addf %get3A_3, %get3A_6 : vector<1000x128xf32>
    %get3A_7 = arith.constant 0 : index
    %get3A_8 = arith.constant 0 : index
    %get3A_9 = vector.load %arg3[%get3A_7, %get3A_8] : memref<1000x128xf32, #tpu.memory_space<vmem>>, vector<1000x128xf32>
    %add3A_10 = arith.addf %add3A, %get3A_9 : vector<1000x128xf32>
    %get3A_11 = arith.constant 0 : index
    %get3A_12 = arith.constant 0 : index
    %get3A_13 = vector.load %arg4[%get3A_11, %get3A_12] : memref<1000x128xf32, #tpu.memory_space<vmem>>, vector<1000x128xf32>
    %mul3A = arith.mulf %get3A_13, %add3A_10 : vector<1000x128xf32>
    %get3A_14 = arith.constant 0 : index
    %get3A_15 = arith.constant 0 : index
    %get3A_16 = vector.load %arg5[%get3A_14, %get3A_15] : memref<1x128xf32, #tpu.memory_space<vmem>>, vector<1x128xf32>
    %add3A_17 = vector.broadcast %get3A_16 : vector<1x128xf32> to vector<1000x128xf32>
    %add3A_18 = arith.addf %mul3A, %add3A_17 : vector<1000x128xf32>
    %max3A = arith.constant 0.000000e+00 : f32
    %max3A_19 = vector.broadcast %max3A : f32 to vector<1000x128xf32>
    %max3A_20 = arith.maximumf %add3A_18, %max3A_19 : vector<1000x128xf32>
    %get3A_21 = arith.constant 0 : index
    %get3A_22 = arith.constant 0 : index
    %get3A_23 = arith.constant 0 : index
    %get3A_24 = vector.load %arg6[%get3A_21, %get3A_22, %get3A_23] : memref<1x1x1000xi32, #tpu.memory_space<vmem>>, vector<1x1x1000xi32>
    %get3A_25 = vector.shape_cast %get3A_24 : vector<1x1x1000xi32> to vector<1x1000xi32>
    %iota3A = tpu.iota {dimensions = array<i32: 0>} : vector<64x1000xi32>
    %eq3A_26 = vector.broadcast %get3A_25 : vector<1x1000xi32> to vector<64x1000xi32>
    %eq3A_27 = arith.cmpi eq, %iota3A, %eq3A_26 : vector<64x1000xi32>
    %convert_element_type3A_28 = arith.extui %eq3A_27 : vector<64x1000xi1> to vector<64x1000xi32>
    %convert_element_type3A_29 = arith.sitofp %convert_element_type3A_28 : vector<64x1000xi32> to vector<64x1000xf32>
    %get3A_30 = arith.constant 0 : index
    %get3A_31 = arith.constant 0 : index
    %get3A_32 = vector.load %arg12[%get3A_30, %get3A_31] : memref<64x128xf32, #tpu.memory_space<vmem>>, vector<64x128xf32>
    %dot_general3A = arith.constant dense<0.000000e+00> : vector<64x128xf32>
    %dot_general3A_33 = tpu.matmul %convert_element_type3A_29, %max3A_20, %dot_general3A {dimension_numbers = #tpu.dot_dimension_numbers<[1], [0], [0], [1], [0, 0, 1, 1], [], []>, transpose_lhs_hint = false} : vector<64x1000xf32>, vector<1000x128xf32>, vector<64x128xf32> -> vector<64x128xf32>
    %add3A_34 = arith.addf %get3A_32, %dot_general3A_33 : vector<64x128xf32>
    %swap3A = arith.constant 0 : index
    %swap3A_35 = arith.constant 0 : index
    %swap3A_36 = vector.load %arg12[%swap3A, %swap3A_35] : memref<64x128xf32, #tpu.memory_space<vmem>>, vector<64x128xf32>
    tpu.vector_store %arg12[%swap3A, %swap3A_35], %add3A_34 {strides = array<i32>} : memref<64x128xf32, #tpu.memory_space<vmem>>, vector<64x128xf32>,
    %reduce_sum3A = arith.constant dense<0.000000e+00> : vector<64xf32>
    %reduce_sum3A_37 = vector.multi_reduction <add>, %convert_element_type3A_29, %reduce_sum3A [1] : vector<64x1000xf32> to vector<64xf32>
    %broadcast_in_dim3A = vector.shape_cast %reduce_sum3A_37 : vector<64xf32> to vector<64x1xf32>
    %get3A_38 = arith.constant 0 : index
    %get3A_39 = arith.constant 0 : index
    %get3A_40 = vector.load %arg13[%get3A_38, %get3A_39] : memref<64x128xf32, #tpu.memory_space<vmem>>, vector<64x128xf32>
    %broadcast_in_dim3A_41 = vector.shape_cast %broadcast_in_dim3A : vector<64x1xf32> to vector<64x1xf32>
    %broadcast_in_dim3A_42 = vector.broadcast %broadcast_in_dim3A_41 : vector<64x1xf32> to vector<64x128xf32>
    %add3A_43 = arith.addf %get3A_40, %broadcast_in_dim3A_42 : vector<64x128xf32>
    %swap3A_44 = arith.constant 0 : index
    %swap3A_45 = arith.constant 0 : index
    %swap3A_46 = vector.load %arg13[%swap3A_44, %swap3A_45] : memref<64x128xf32, #tpu.memory_space<vmem>>, vector<64x128xf32>
    tpu.vector_store %arg13[%swap3A_44, %swap3A_45], %add3A_43 {strides = array<i32>} : memref<64x128xf32, #tpu.memory_space<vmem>>, vector<64x128xf32>,
    %eq3A_47 = arith.constant 9 : i32
    %eq3A_48 = arith.cmpi eq, %arg0, %eq3A_47 : i32
    %convert_element_type3A_49 = arith.extui %eq3A_48 : i1 to i32
    %cond3A_50 = arith.constant 0 : i32
    %cond3A_51 = arith.cmpi ne, %convert_element_type3A_49, %cond3A_50 : i32
    scf.if %cond3A_51 {
      %get3A_52 = arith.constant 0 : index
      %get3A_53 = arith.constant 0 : index
      %get3A_54 = vector.load %arg12[%get3A_52, %get3A_53] : memref<64x128xf32, #tpu.memory_space<vmem>>, vector<64x128xf32>
      %get3A_55 = arith.constant 0 : index
      %get3A_56 = arith.constant 0 : index
      %get3A_57 = vector.load %arg13[%get3A_55, %get3A_56] : memref<64x128xf32, #tpu.memory_space<vmem>>, vector<64x128xf32>
      %max3A_58 = arith.constant 1.000000e+00 : f32
      %max3A_59 = vector.broadcast %max3A_58 : f32 to vector<64x128xf32>
      %max3A_60 = arith.maximumf %get3A_57, %max3A_59 : vector<64x128xf32>
      %div3A = arith.divf %get3A_54, %max3A_60 : vector<64x128xf32>
      %get3A_61 = arith.constant 0 : index
      %get3A_62 = arith.constant 0 : index
      %get3A_63 = vector.load %arg7[%get3A_61, %get3A_62] : memref<128x128xf32, #tpu.memory_space<vmem>>, vector<128x128xf32>
      %dot_general3A_64 = arith.constant dense<0.000000e+00> : vector<64x128xf32>
      %dot_general3A_65 = tpu.matmul %div3A, %get3A_63, %dot_general3A_64 {dimension_numbers = #tpu.dot_dimension_numbers<[1], [0], [0], [1], [0, 0, 1, 1], [], []>, transpose_lhs_hint = false} : vector<64x128xf32>, vector<128x128xf32>, vector<64x128xf32> -> vector<64x128xf32>
      %get3A_66 = arith.constant 0 : index
      %get3A_67 = arith.constant 0 : index
      %get3A_68 = vector.load %arg8[%get3A_66, %get3A_67] : memref<1x128xf32, #tpu.memory_space<vmem>>, vector<1x128xf32>
      %add3A_69 = vector.broadcast %get3A_68 : vector<1x128xf32> to vector<64x128xf32>
      %add3A_70 = arith.addf %dot_general3A_65, %add3A_69 : vector<64x128xf32>
      %max3A_71 = arith.constant 0.000000e+00 : f32
      %max3A_72 = vector.broadcast %max3A_71 : f32 to vector<64x128xf32>
      %max3A_73 = arith.maximumf %add3A_70, %max3A_72 : vector<64x128xf32>
      %get3A_74 = arith.constant 0 : index
      %get3A_75 = arith.constant 0 : index
      %get3A_76 = vector.load %arg9[%get3A_74, %get3A_75] : memref<128x64xf32, #tpu.memory_space<vmem>>, vector<128x64xf32>
      %dot_general3A_77 = arith.constant dense<0.000000e+00> : vector<64x64xf32>
      %dot_general3A_78 = tpu.matmul %max3A_73, %get3A_76, %dot_general3A_77 {dimension_numbers = #tpu.dot_dimension_numbers<[1], [0], [0], [1], [0, 0, 1, 1], [], []>, transpose_lhs_hint = false} : vector<64x128xf32>, vector<128x64xf32>, vector<64x64xf32> -> vector<64x64xf32>
      %get3A_79 = arith.constant 0 : index
      %get3A_80 = arith.constant 0 : index
      %get3A_81 = vector.load %arg10[%get3A_79, %get3A_80] : memref<1x64xf32, #tpu.memory_space<vmem>>, vector<1x64xf32>
      %add3A_82 = vector.broadcast %get3A_81 : vector<1x64xf32> to vector<64x64xf32>
      %add3A_83 = arith.addf %dot_general3A_78, %add3A_82 : vector<64x64xf32>
      %swap3A_84 = arith.constant 0 : index
      %swap3A_85 = arith.constant 0 : index
      %swap3A_86 = vector.load %arg11[%swap3A_84, %swap3A_85] : memref<64x64xf32, #tpu.memory_space<vmem>>, vector<64x64xf32>
      tpu.vector_store %arg11[%swap3A_84, %swap3A_85], %add3A_83 {strides = array<i32>} : memref<64x64xf32, #tpu.memory_space<vmem>>, vector<64x64xf32>,
    } else {
    }
    return
  }
  func.func @transform_0(%arg0: i32) -> (i32, i32) {
    %c0_i32 = arith.constant 0 : i32
    %c0_i32_0 = arith.constant 0 : i32
    return %arg0, %c0_i32 : i32, i32
  }
  func.func @transform_1(%arg0: i32) -> (i32, i32) {
    %c0_i32 = arith.constant 0 : i32
    %c0_i32_0 = arith.constant 0 : i32
    return %arg0, %c0_i32 : i32, i32
  }
  func.func @transform_2(%arg0: i32) -> (i32, i32) {
    %c0_i32 = arith.constant 0 : i32
    %c0_i32_0 = arith.constant 0 : i32
    return %arg0, %c0_i32 : i32, i32
  }
  func.func @transform_3(%arg0: i32) -> (i32, i32) {
    %c0_i32 = arith.constant 0 : i32
    %c0_i32_0 = arith.constant 0 : i32
    return %arg0, %c0_i32 : i32, i32
  }
  func.func @transform_4(%arg0: i32) -> (i32, i32) {
    %c0_i32 = arith.constant 0 : i32
    %c0_i32_0 = arith.constant 0 : i32
    %c0_i32_1 = arith.constant 0 : i32
    return %c0_i32, %c0_i32_0 : i32, i32
  }
  func.func @transform_5(%arg0: i32) -> (i32, i32, i32) {
    %c0_i32 = arith.constant 0 : i32
    %c0_i32_0 = arith.constant 0 : i32
    %c0_i32_1 = arith.constant 0 : i32
    return %arg0, %c0_i32, %c0_i32_0 : i32, i32, i32
  }
  func.func @transform_6(%arg0: i32) -> (i32, i32) {
    %c0_i32 = arith.constant 0 : i32
    %c0_i32_0 = arith.constant 0 : i32
    %c0_i32_1 = arith.constant 0 : i32
    return %c0_i32, %c0_i32_0 : i32, i32
  }
  func.func @transform_7(%arg0: i32) -> (i32, i32) {
    %c0_i32 = arith.constant 0 : i32
    %c0_i32_0 = arith.constant 0 : i32
    %c0_i32_1 = arith.constant 0 : i32
    return %c0_i32, %c0_i32_0 : i32, i32
  }
  func.func @transform_8(%arg0: i32) -> (i32, i32) {
    %c0_i32 = arith.constant 0 : i32
    %c0_i32_0 = arith.constant 0 : i32
    %c0_i32_1 = arith.constant 0 : i32
    return %c0_i32, %c0_i32_0 : i32, i32
  }
  func.func @transform_9(%arg0: i32) -> (i32, i32) {
    %c0_i32 = arith.constant 0 : i32
    %c0_i32_0 = arith.constant 0 : i32
    %c0_i32_1 = arith.constant 0 : i32
    return %c0_i32, %c0_i32_0 : i32, i32
  }
  func.func @transform_10(%arg0: i32) -> (i32, i32) {
    %c0_i32 = arith.constant 0 : i32
    %c0_i32_0 = arith.constant 0 : i32
    %c0_i32_1 = arith.constant 0 : i32
    return %c0_i32, %c0_i32_0 : i32, i32
  }
}

</mosaic_0001>

<sc_bundles>
// kernel: kernel.12.cloned.1.call-start
scs
__scs_entry_jumppad:
0x0: {  	(pc) =	sbr.rel $0x88, $3  }
0x1: {  	(tag) =	ssettag $0x0;
	lr =	simm.s32 $0x1  }
0x2: {  	[smem:$0x3F96] =	sst lr;
	_ =	strace $0xD0000000  }
0x3: {  	_ = 	snop  }
0x4: {  	_ = 	snop  }
0x5: {  	_ = 	snop  }
0x6: {  	_ = 	snop  }
0x7: {  	_ = 	snop  }
__scs_overlays_trampoline_lowered:
0x8: {  	[smem:$0x3FA5] =	sst s0  }
0x9: {  	[smem:$0x3FA6] =	sst s1  }
0xa: {  	[smem:$0x3FA7] =	sst s2  }
0xb: {  	[smem:$0x3FA8] =	sst s3  }
0xc: {  	[smem:$0x3FA9] =	sst s4  }
0xd: {  	[smem:$0x3FAA] =	sst s5  }
0xe: {  	[smem:$0x3FAB] =	sst s6  }
0xf: {  	[smem:$0x3FAC] =	sst s7  }
0x10: {  	[smem:$0x3FAD] =	sst s8  }
0x11: {  	[smem:$0x3FAE] =	sst s9;
	s0 =	simm.s32 @!p0 $0x0  }
0x12: {  	s1 =	sld [smem:$0x3F94];
	s0 =	simm.s32 @p0 $0x1  }
0x13: {  	[smem:$0x3FAF] =	sst s0;
	s0 =	simm.s32 @!p1 $0x0  }
0x14: {  	s2 =	sld [smem:$0x3F93];
	s0 =	simm.s32 @p1 $0x1  }
0x15: {  	[smem:$0x3FB0] =	sst s0;
	s0 =	simm.s32 @!p2 $0x0  }
0x16: {  	s3 =	sld [smem:$0x3FDB];
	s0 =	simm.s32 @p2 $0x1  }
0x17: {  	s4 =	simm.s32 $0x1BF5;
	[smem:$0x3FB2] =	sst s0  }
0x18: {  	s0 =	sld [smem:$0x3F95];
	_ =	swait.ge [sflag:s4], $0x0  }
0x19: {  	s7 =	sld [smem:$0x3F96]  }
0x1a: {  	s8 =	sadd.s32 $0xFFFFE003, lr  }
0x1b: {  	s9 =	sadd.s32 $0xFFFFFEF7, lr;
	s5 =	simm.s32 $0xFFFFFFFF;
	p2 =	slt.u32 s8, $0xFFFFF086  }
0x1c: {  	p1 =	slt.u32 s9, $0xF7A;
	s5 =	simm.s32 @!p2 $0x0  }
0x1d: {  	s5 =	simm.s32 @p1 $0x1;
	p0 =	seq.s32 s7, s2  }
0x1e: {  	s7 =	smul.u32 @!p0 $0xF7A, s2;
	p2 =	seq.s32 @!p0 s5, $0x0  }
0x1f: {  	s9 =	smul.u32 $0xF7A, s1;
	s8 =	simm.s32 @!p0 $0x1BF5;
	p2 =	por !p2, p0  }
0x20: {  	[sflag:s8] =	ssyncset.s32 @!p0 $0xFFFFF086;
	s6 =	sadd.s32 @!p0 s3, s7;
	s7 =	simm.s32 @!p0 $0x108  }
0x21: {  	s3 =	sadd.s32 s3, s9;
	s6 =	sadd.s32 @!p0 $0x88, s6;
	s7 =	simm.s32 @p2 $0x1082  }
0x22: {  	[simem:s7], [sflag:s8] =	dma.local @!p0 [hbm:s6], $0xF7A  }
0x23: {  	s9 =	sor.u32 $0xD0000000, s2;
	s6 =	simm.s32 $0x108;
	_ =	swait.ge @!p0 [sflag:s8], $0x0  }
0x24: {  	s3 =	sadd.s32 $0x88, s3;
	s6 =	simm.s32 @!p1 $0x1082;
	[sflag:s4] =	ssyncset.s32 $0xFFFFF086  }
0x25: {  	[simem:s6], [sflag:s4] =	dma.local [hbm:s3], $0xF7A  }
0x26: {  	[smem:$0x3F96] =	sst s1;
	(tag) =	ssettag s2;
	_ =	strace s9  }
0x27: {  	s1 =	sld [smem:$0x3FA6]  }
0x28: {  	s2 =	sld [smem:$0x3FA7]  }
0x29: {  	s4 =	sld [smem:$0x3FA9]  }
0x2a: {  	p0 =	seq.s32 s5, $0x0;
	s5 =	sld [smem:$0x3FAA]  }
0x2b: {  	s6 =	sld [smem:$0x3FAB]  }
0x2c: {  	s7 =	sld [smem:$0x3FAC]  }
0x2d: {  	s3 =	simm.s32 $0x108;
	s8 =	sld [smem:$0x3FAD]  }
0x2e: {  	s3 =	simm.s32 @!p0 $0x1082;
	s9 =	sld [smem:$0x3FAE]  }
0x2f: {  	lr =	sadd.s32 s0, s3;
	s0 =	sld [smem:$0x3FA5]  }
0x30: {  	s3 =	sld [smem:$0x3FA8]  }
0x31: {  	[smem:$0x3FB1] =	sst s10  }
0x32: {  	s10 =	sld [smem:$0x3FAF];
	_ =	sdelay $0x3  }
0x33: {  	p0 =	seq.s32 s10, $0x1;
	s10 =	sld [smem:$0x3FB1];
	_ =	sdelay $0x3  }
0x34: {  	[smem:$0x3FB1] =	sst s10  }
0x35: {  	s10 =	sld [smem:$0x3FB0];
	_ =	sdelay $0x3  }
0x36: {  	p1 =	seq.s32 s10, $0x1;
	s10 =	sld [smem:$0x3FB1];
	_ =	sdelay $0x3  }
0x37: {  	[smem:$0x3FB1] =	sst s10  }
0x38: {  	s10 =	sld [smem:$0x3FB2]  }
0x39: {  	_ = 	snop;
	(pc) =	sbr.ind lr, $3  }
0x3a: {  	_ = 	snop  }
0x3b: {  	_ = 	snop  }
0x3c: {  	p2 =	seq.s32 s10, $0x1;
	s10 =	sld [smem:$0x3FB1]  }
0x3d: {  	_ =	shalt  }
0x3e: {  	_ =	shalt  }
0x3f: {  	_ =	shalt  }
0x40: {  	_ =	shalt  }
0x41: {  	_ =	shalt  }
0x42: {  	_ =	shalt  }
0x43: {  	_ =	shalt  }
0x44: {  	_ =	shalt  }
0x45: {  	_ =	shalt  }
0x46: {  	_ =	shalt  }
0x47: {  	_ =	shalt  }
0x48: {  	_ =	shalt  }
0x49: {  	_ =	shalt  }
0x4a: {  	_ =	shalt  }
0x4b: {  	_ =	shalt  }
0x4c: {  	_ =	shalt  }
0x4d: {  	_ =	shalt  }
0x4e: {  	_ =	shalt  }
0x4f: {  	_ =	shalt  }
0x50: {  	_ =	shalt  }
0x51: {  	_ =	shalt  }
0x52: {  	_ =	shalt  }
0x53: {  	_ =	shalt  }
0x54: {  	_ =	shalt  }
0x55: {  	_ =	shalt  }
0x56: {  	_ =	shalt  }
0x57: {  	_ =	shalt  }
0x58: {  	_ =	shalt  }
0x59: {  	_ =	shalt  }
0x5a: {  	_ =	shalt  }
0x5b: {  	_ =	shalt  }
0x5c: {  	_ =	shalt  }
0x5d: {  	_ =	shalt  }
0x5e: {  	_ =	shalt  }
0x5f: {  	_ =	shalt  }
0x60: {  	_ =	shalt  }
0x61: {  	_ =	shalt  }
0x62: {  	_ =	shalt  }
0x63: {  	_ =	shalt  }
0x64: {  	_ =	shalt  }
0x65: {  	_ =	shalt  }
0x66: {  	_ =	shalt  }
0x67: {  	_ =	shalt  }
0x68: {  	_ =	shalt  }
0x69: {  	_ =	shalt  }
0x6a: {  	_ =	shalt  }
0x6b: {  	_ =	shalt  }
0x6c: {  	_ =	shalt  }
0x6d: {  	_ =	shalt  }
0x6e: {  	_ =	shalt  }
0x6f: {  	_ =	shalt  }
0x70: {  	_ =	shalt  }
0x71: {  	_ =	shalt  }
0x72: {  	_ =	shalt  }
0x73: {  	_ =	shalt  }
0x74: {  	_ =	shalt  }
0x75: {  	_ =	shalt  }
0x76: {  	_ =	shalt  }
0x77: {  	_ =	shalt  }
0x78: {  	_ =	shalt  }
0x79: {  	_ =	shalt  }
0x7a: {  	_ =	shalt  }
0x7b: {  	_ =	shalt  }
0x7c: {  	_ =	shalt  }
0x7d: {  	_ =	shalt  }
0x7e: {  	_ =	shalt  }
0x7f: {  	_ =	shalt  }
0x80: {  	_ =	shalt  }
0x81: {  	_ =	shalt  }
0x82: {  	_ =	shalt  }
0x83: {  	_ =	shalt  }
0x84: {  	_ =	shalt  }
0x85: {  	_ =	shalt  }
0x86: {  	_ =	shalt  }
0x87: {  	_ =	shalt  }
.Lfunc_end0:
.L_simem_size_0:
called_computation.1_lowered:
.L_overlay_start_0:
0x88: {  	s2 =	sld [smem:$0x3FD9]  }
0x89: {  	s3 =	sld [smem:$0x3FFE];
	_ =	sdelay $0x1  }
0x8a: {  	s1 =	srdreg.scid  }
0x8b: {  	s0 =	sand.u32 $0x1, s1  }
0x8c: {  	s16 =	sshll.u32 s0, $0xA;
	s2 =	sadd.s32 s3, s2  }
0x8d: {  	s2 =	sadd.s32 s2, s16  }
0x8e: {  	[smem:$0x3FBD] =	sst s2  }
0x8f: {  	_ = 	snop  }
0x90: {  	(tm) =	ssettm $0x1  }
0x91: {  	s17 =	sld [smem:$0x3FFB];
	_ =	sdelay $0x3  }
0x92: {  	_ =	strace s17  }
0x93: {  	s2 =	sld [smem:$0x3FFC];
	_ =	sdelay $0x3  }
0x94: {  	_ =	strace s2  }
0x95: {  	s2 =	sld [smem:$0x3FFD];
	_ =	sdelay $0x3  }
0x96: {  	_ =	strace s2  }
0x97: {  	_ =	strace $0x8FFFFFFF  }
0x98: {  	s18 =	sld [smem:$0x3FDB];
	_ =	sdelay $0x1  }
0x99: {  	s19 =	simm.s32 $_scs_section_size  }
0x9a: {  	s4 =	simm.s32 $_size__tile_overlayer_lowered;
	s5 =	simm.s32 $_tile_overlayer_lowered  }
0x9b: {  	s22 =	simm.s32 $0x1BFF;
	s21 =	sshll.u32 s5, $0x1;
	s2 =	sadd.s32 s19, s18  }
0x9c: {  	s6 =	simm.s32 $0x0;
	s20 =	sshll.u32 s4, $0x1;
	s4 =	sadd.s32 s21, s2  }
0x9d: {  	[timem:s6], [sflag:s22] =	dma.local [hbm:s4], s20  }
0x9e: {  	_ =	swait.ge [sflag:s22], s20  }
0x9f: {  	s3 =	ssub.s32 $0x0, s20;
	[sflag:s22] =	ssyncset.done $0x0  }
0xa0: {  	[sflag:s22] =	ssyncadd.s32 s3;
	_ =	sdelay $0x1  }
0xa1: {  	s23 =	simm.s32 $0x1B8B  }
0xa2: {  	_ =	swait.ge [sflag:s23], $0x1  }
0xa3: {  	[sflag:s23] =	ssyncset.done $0x0  }
0xa4: {  	s25 =	simm.s32 $0x1B8E;
	s24 =	sld [smem:$0x3FFE];
	[sflag:s23] =	ssyncadd.s32 $0xFFFFFFFF  }
0xa5: {  	s26 =	simm.s32 $execute0_lowered;
	[smem:$0x3FD2] =	sst s25  }
0xa6: {  	s4 =	sshll.u32 s26, $0x1;
	_ =	strace $0x80000049;
	[dreg:$0x1] =	wrdreg $0xFFFFFFFF  }
0xa7: {  	s28 =	simm.s32 $_size_execute0_lowered;
	s2 =	sadd.s32 s2, s4;
	[dreg:$0x0] =	wrdreg $0x0  }
0xa8: {  	s4 =	sshll.u32 s28, $0x1;
	[dreg:$0x2] =	wrdreg s2  }
0xa9: {  	[dreg:$0x3] =	wrdreg s4  }
0xaa: {  	[dreg:$0x4] =	wrdreg $0xC0  }
0xab: {  	_ =	task [dreg:s6], $0x5FFFF  }
0xac: {  	[dreg:$0x1] =	wrdreg $0xFFFFFFFF  }
0xad: {  	[dreg:$0x0] =	wrdreg $0x60  }
0xae: {  	[dreg:$0x2] =	wrdreg s24  }
0xaf: {  	[dreg:$0x3] =	wrdreg $0xA9000  }
0xb0: {  	[dreg:$0x4] =	wrdreg $0x9  }
0xb1: {  	_ =	task.clear_ibuf [dreg:s6], $0x5FFFF;
	_ =	strace $0x90000049  }
0xb2: {  	s29 =	simm.s32 $0x9;
	_ =	strace $0x8000004B  }
0xb3: {  	_ =	swait.ge [sflag:s29], $0x1  }
0xb4: {  	[sflag:s29] =	ssyncadd.s32 $0xFFFFFFFF  }
0xb5: {  	_ =	strace $0x9000004B  }
0xb6: {  	_ =	sfence  }
0xb7: {  	s30 =	sld [smem:$0x0];
	_ =	sdelay $0x2  }
0xb8: {  	s31 =	sshll.u32 s1, $0xD;
	s1 =	sshrl.u32 s1, $0x2  }
0xb9: {  	s3 =	sand.u32 $0x4000, s31;
	s1 =	sadd.s32 s1, s30  }
0xba: {  	s0 =	sor.u32 s3, s0;
	s1 =	sshll.u32 s1, $0x11  }
0xbb: {  	s0 =	sor.u32 s1, s0  }
0xbc: {  	s0 =	sadd.s32 $0x8F2B, s0  }
0xbd: {  	[sflag:s0] =	ssyncadd.remote.s32 $0x1  }
0xbe: {  	_ =	sfence.sel $0xFFFF  }
0xbf: {  	[dreg:$0x0] =	wrdreg $0xFFFFFFFF;
	(pc) =	sbr.abs _section_cstart, $3  }
0xc0: {  	[dreg:$0x1] =	wrdreg $0xFFFFFFFF  }
0xc1: {  	_ =	task.clear_ibuf [dreg:s6], $0x2FFFF;
	_ =	strace $0x9FFFFFFF  }
0xc2: {  	(tm) =	ssettm $0x7FFFFFFF  }
0xc3: {  	_ =	shalt  }
tec
execute0_lowered:
.L_overlay_start_1:
0x0: {  	(tag) =	ssettag $0x1  }
0x1: {  	s0 =	srdreg.scid;
	s6 =	rddreg [dreg:$0x0]  }
0x2: {  	s2 =	rddreg [dreg:$0x1];
	s3 =	simm.s32 $0x0;
	s17 =	simm.s32 $0x2900  }
0x3: {  	s18 =	simm.s32 $0x1;
	s5 =	sand.u32 $0x1, s0;
	s0 =	stileid.u32  }
0x4: {  	s19 =	simm.s32 $0x6900;
	s20 =	simm.s32 $0x2800;
	s8 =	smul.u32 $0x13C00, s0  }
0x5: {  	s21 =	simm.s32 $0x2880;
	s22 =	simm.s32 $0x0;
	s9 =	smul.u32 $0x13C000, s5  }
0x6: {  	[smem:$0x7FF] =	sst s3;
	s12 =	sadd.s32 $0xE200, s6;
	s25 =	smul.u32 $0x4F000, s0  }
0x7: {  	s1 =	sshll.u32 s5, $0x4;
	s26 =	ssub.s32 $0x2, s5;
	s13 =	smul.u32 $0x28000, s5  }
0x8: {  	s14 =	smul.u32 $0x2800, s0;
	s31 =	sshll.u32 s0, $0x6;
	s7 =	sor.u32 s0, s1  }
0x9: {  	s1 =	rddreg [dreg:$0x2];
	_ =	strace $0x8000004A;
	s28 =	sshrl.u32 s26, $0x1  }
0xa: {  	s4 =	smul.u32 $0x500, s7;
	s11 =	sshrl.u32 s8, $0x3;
	s8 =	sadd.s32 s8, s9  }
0xb: {  	s7 =	smul.u32 $0x2800, s7;
	s15 =	ssub.s32 s26, s28;
	s29 =	sadd.s32 s14, s13  }
0xc: {  	s14 =	sor.u32 $0x1C02, s31;
	s24 =	sadd.s32 s11, s6;
	s8 =	sshrl.u32 s8, $0x3  }
0xd: {  	s11 =	sshrl.u32 s25, $0x2;
	s30 =	sor.u32 $0x100, s29;
	s9 =	smax.u32 s15, $0x1  }
0xe: {  	s13 =	sor.u32 $0x80, s29;
	s10 =	sadd.s32 s4, s6;
	s4 =	sadd.s32 $0x66C00, s6  }
0xf: {  	s8 =	sadd.s32 s8, s6;
	s16 =	sadd.s32 s11, s2;
	s6 =	sadd.s32 $0x18200, s24  }
0x10: {  	s7 =	sshrl.u32 s7, $0x3;
	s11 =	sshrl.u32 s30, $0x3;
	s13 =	sshrl.u32 s13, $0x3  }
0x11: {  	s5 =	sadd.s32 $0x4200, s10;
	s7 =	sadd.s32 s12, s7;
	s8 =	sadd.s32 $0x8DE00, s8  }
0x12: {  	s11 =	sadd.s32 s11, s12;
	s12 =	sadd.s32 s13, s12;
	s13 =	simm.s32 $0x2  }
0x13: {  	s15 =	sshrl.u32 s16, $0x3;
	s16 =	simm.s32 $0x80;
	s10 =	sadd.s32 $0x4F0, s7  }
.LBB2_1:
0x14: {  	s23 =	simm.s32 $0x100  }
0x15: {  	[tilespmem:s23], [sflag:$0x2] =	stream.linear.gather [hbm4b:s5+s3], $0x2800, $0x38;
	[tilespmem:$0x1E500] =	vst v63  }
0x16: {  	_ =	swait.ge [sflag:s13], $0x2800  }
0x17: {  	[sflag:s13] =	ssyncset.done $0x0  }
0x18: {  	[sflag:s13] =	ssyncadd.s32 $0xFFFFD800  }
0x19: {  	[spmem:s15], [sflag:s14] =	dma.local [hbm:s6], $0x2780  }
0x1a: {  	_ =	swait.ge [sflag:s13], $0x2780  }
0x1b: {  	[sflag:s13] =	ssyncset.done $0x0  }
0x1c: {  	[sflag:s13] =	ssyncadd.s32 $0xFFFFD880  }
0x1d: {  	[bflag:$0x0] =	sbarrier.arrive $0xFFFF  }
0x1e: {  	[tilespmem:s3], [sflag:$0x2] =	stream.linear.gather [hbm4b:s7+s3], $0x80, $0x38;
	[tilespmem:$0x1E500] =	vst v63  }
0x1f: {  	_ =	swait.ge [sflag:s13], $0x80  }
0x20: {  	[sflag:s13] =	ssyncset.done $0x0  }
0x21: {  	[sflag:s13] =	ssyncadd.s32 $0xFFFFFF80  }
0x22: {  	[tilespmem:s17], [sflag:$0x1] =	stream.indirect.gather [hbm4b:s4+s16], $0x80, s3, s16, $0xb8;
	[tilespmem:$0x1E500] =	vst v63  }
0x23: {  	s24 =	sadd.s32 $0x0, s12  }
0x24: {  	[tilespmem:s16], [sflag:$0x2] =	stream.linear.gather [hbm4b:s24+s3], $0x80, $0x38;
	[tilespmem:$0x1E500] =	vst v63  }
0x25: {  	_ =	swait.ge [sflag:s13], $0x80  }
0x26: {  	[sflag:s13] =	ssyncset.done $0x0  }
0x27: {  	[sflag:s13] =	ssyncadd.s32 $0xFFFFFF80  }
0x28: {  	_ =	swait.ge [sflag:s18], $0x4000  }
0x29: {  	[sflag:s18] =	ssyncset.done $0x0  }
0x2a: {  	[sflag:s18] =	ssyncadd.s32 $0xFFFFC000  }
0x2b: {  	[tilespmem:s19], [sflag:$0x1] =	stream.indirect.gather [hbm4b:s4+s16], $0x80, s16, s16, $0xb8;
	[tilespmem:$0x1E500] =	vst v63  }
0x2c: {  	_ = 	snop  }
0x2d: {  	[spmem:s2] =	stream.indirect.scatter.add.f32 [tilespmem:s17], [sflag:$0x2], $0x80, s23, s16, $0xb8;
	[tilespmem:$0x1E500] =	vst v63  }
0x2e: {  	_ =	swait.ge [sflag:s13], $0x4000  }
0x2f: {  	[sflag:s13] =	ssyncset.done $0x0  }
0x30: {  	s30 =	sadd.s32 $0x0, s11;
	[sflag:s13] =	ssyncadd.s32 $0xFFFFC000  }
0x31: {  	[tilespmem:s3], [sflag:$0x2] =	stream.linear.gather [hbm4b:s30+s3], $0x80, $0x38;
	[tilespmem:$0x1E500] =	vst v63  }
0x32: {  	_ =	swait.ge [sflag:s13], $0x80  }
0x33: {  	[sflag:s13] =	ssyncset.done $0x0  }
0x34: {  	[sflag:s13] =	ssyncadd.s32 $0xFFFFFF80  }
0x35: {  	_ =	swait.ge [sflag:s18], $0x4000  }
0x36: {  	[sflag:s18] =	ssyncset.done $0x0  }
0x37: {  	[sflag:s18] =	ssyncadd.s32 $0xFFFFC000  }
0x38: {  	[tilespmem:s17], [sflag:$0x1] =	stream.indirect.gather [hbm4b:s4+s16], $0x80, s3, s16, $0xb8;
	[tilespmem:$0x1E500] =	vst v63  }
0x39: {  	s31 =	simm.s32 $0x180  }
0x3a: {  	[spmem:s2] =	stream.indirect.scatter.add.f32 [tilespmem:s19], [sflag:$0x2], $0x80, s31, s16, $0xb8;
	[tilespmem:$0x1E500] =	vst v63  }
0x3b: {  	_ =	swait.ge [sflag:s13], $0x4000  }
0x3c: {  	s24 =	simm.s32 $0x20;
	[sflag:s13] =	ssyncset.done $0x0  }
.LBB2_2:
0x3d: {  	p0 =	sne.s32 s24, $0x4C0;
	[sflag:s13] =	ssyncadd.s32 $0xFFFFC000;
	s23 =	sadd.s32 $0x100, s23  }
0x3e: {  	s25 =	sadd.s32 s24, s12;
	s26 =	smov.u32 s24;
	s24 =	sadd.s32 $0x20, s24  }
0x3f: {  	[tilespmem:s16], [sflag:$0x2] =	stream.linear.gather [hbm4b:s25+s3], $0x80, $0x38;
	[tilespmem:$0x1E500] =	vst v63  }
0x40: {  	_ =	swait.ge [sflag:s13], $0x80  }
0x41: {  	[sflag:s13] =	ssyncset.done $0x0  }
0x42: {  	[sflag:s13] =	ssyncadd.s32 $0xFFFFFF80  }
0x43: {  	_ =	swait.ge [sflag:s18], $0x4000  }
0x44: {  	[sflag:s18] =	ssyncset.done $0x0  }
0x45: {  	[sflag:s18] =	ssyncadd.s32 $0xFFFFC000  }
0x46: {  	[tilespmem:s19], [sflag:$0x1] =	stream.indirect.gather [hbm4b:s4+s16], $0x80, s16, s16, $0xb8;
	[tilespmem:$0x1E500] =	vst v63  }
0x47: {  	_ = 	snop  }
0x48: {  	[spmem:s2] =	stream.indirect.scatter.add.f32 [tilespmem:s17], [sflag:$0x2], $0x80, s23, s16, $0xb8;
	[tilespmem:$0x1E500] =	vst v63  }
0x49: {  	_ =	swait.ge [sflag:s13], $0x4000  }
0x4a: {  	[sflag:s13] =	ssyncset.done $0x0  }
0x4b: {  	s25 =	sadd.s32 s26, s11;
	[sflag:s13] =	ssyncadd.s32 $0xFFFFC000  }
0x4c: {  	[tilespmem:s3], [sflag:$0x2] =	stream.linear.gather [hbm4b:s25+s3], $0x80, $0x38;
	[tilespmem:$0x1E500] =	vst v63  }
0x4d: {  	_ =	swait.ge [sflag:s13], $0x80  }
0x4e: {  	[sflag:s13] =	ssyncset.done $0x0  }
0x4f: {  	[sflag:s13] =	ssyncadd.s32 $0xFFFFFF80  }
0x50: {  	_ =	swait.ge [sflag:s18], $0x4000  }
0x51: {  	[sflag:s18] =	ssyncset.done $0x0  }
0x52: {  	[sflag:s18] =	ssyncadd.s32 $0xFFFFC000  }
0x53: {  	[tilespmem:s17], [sflag:$0x1] =	stream.indirect.gather [hbm4b:s4+s16], $0x80, s3, s16, $0xb8;
	[tilespmem:$0x1E500] =	vst v63  }
.Ltmp0:
0x54: {  	_ = 	snop;
	(pc) =	sbr.rel @p0 .LBB2_2-.Ltmp0, $4  }
0x55: {  	s25 =	sadd.s32 $0x80, s23  }
0x56: {  	[spmem:s2] =	stream.indirect.scatter.add.f32 [tilespmem:s19], [sflag:$0x2], $0x80, s25, s16, $0xb8;
	[tilespmem:$0x1E500] =	vst v63  }
0x57: {  	_ =	swait.ge [sflag:s13], $0x4000  }
0x58: {  	[sflag:s13] =	ssyncset.done $0x0  }
0x59: {  	[sflag:s13] =	ssyncadd.s32 $0xFFFFC000  }
0x5a: {  	[tilespmem:s16], [sflag:$0x2] =	stream.linear.gather [hbm4b:s10+s3], $0x80, $0x38;
	[tilespmem:$0x1E500] =	vst v63  }
0x5b: {  	_ =	swait.ge [sflag:s13], $0x80  }
0x5c: {  	[sflag:s13] =	ssyncset.done $0x0  }
0x5d: {  	[sflag:s13] =	ssyncadd.s32 $0xFFFFFF80  }
0x5e: {  	_ =	swait.ge [sflag:s18], $0x4000  }
0x5f: {  	[sflag:s18] =	ssyncset.done $0x0  }
0x60: {  	[sflag:s18] =	ssyncadd.s32 $0xFFFFC000  }
0x61: {  	[tilespmem:s19], [sflag:$0x1] =	stream.indirect.gather [hbm4b:s4+s16], $0x80, s16, s16, $0xb8;
	[tilespmem:$0x1E500] =	vst v63  }
0x62: {  	_ = 	snop  }
0x63: {  	[spmem:s2] =	stream.indirect.scatter.add.f32 [tilespmem:s17], [sflag:$0x2], $0x80, s20, s16, $0xb8;
	[tilespmem:$0x1E500] =	vst v63  }
0x64: {  	_ =	swait.ge [sflag:s13], $0x4000  }
0x65: {  	[sflag:s13] =	ssyncset.done $0x0  }
0x66: {  	[sflag:s13] =	ssyncadd.s32 $0xFFFFC000  }
0x67: {  	_ =	swait.ge [sflag:s18], $0x4000  }
0x68: {  	[sflag:s18] =	ssyncset.done $0x0  }
0x69: {  	[sflag:s18] =	ssyncadd.s32 $0xFFFFC000  }
0x6a: {  	[spmem:s2] =	stream.indirect.scatter.add.f32 [tilespmem:s19], [sflag:$0x2], $0x80, s21, s16, $0xb8;
	[tilespmem:$0x1E500] =	vst v63  }
0x6b: {  	_ =	swait.ge [sflag:s13], $0x4000  }
0x6c: {  	s22 =	sadd.s32 $0x1, s22;
	[sflag:s13] =	ssyncset.done $0x0  }
0x6d: {  	p0 =	sne.s32 s22, s9;
	[sflag:s13] =	ssyncadd.s32 $0xFFFFC000  }
.Ltmp1:
0x6e: {  	[bflag:$0x0] =	sbarrier.arrive $0xFFFF;
	(pc) =	sbr.rel @p0 .LBB2_1-.Ltmp1, $4  }
0x6f: {  	[hbm:s8], [sflag:s14] =	dma.local [spmem:s15], $0x2780  }
0x70: {  	_ =	swait.ge [sflag:s13], $0x2780  }
0x71: {  	[sflag:s13] =	ssyncset.done $0x0  }
0x72: {  	[sflag:s13] =	ssyncadd.s32 $0xFFFFD880  }
0x73: {  	_ =	sfence.sel $0x180000  }
0x74: {  	[bflag:$0x0] =	sbarrier.arrive $0xFFFF  }
0x75: {  	p0 =	sne.s32 s0, $0x0;
	_ =	strace $0x9000004A  }
0x76: {  	s0 =	sadd.s32 @!p0 $0x100000, s1;
	[bflag:$0x2] =	sbarrier.arrive $0xFFFF  }
0x77: {  	[sflag:s0] =	ssyncadd.tile.s32 @!p0 $0x1;
	_ =	shalt  }
.Lfunc_end2:
_tile_overlayer_lowered:
.L_overlay_start_2:
0x78: {  	(tag) =	ssettag $0x2  }
0x79: {  	s0 =	rddreg [dreg:$0x0];
	s2 =	stileid.u32  }
0x7a: {  	s1 =	rddreg [dreg:$0x1];
	p0 =	sne.s32 s2, $0x0  }
0x7b: {  	s3 =	rddreg [dreg:$0x2];
	[bflag:$0x3] =	sbarrier.arrive $0xFFFF;
	s2 =	simm.s32 @!p0 $0x1C02  }
0x7c: {  	[timem:s3], [sflag:s2] =	dma.local @!p0 [hbm:s0], s1  }
0x7d: {  	s0 =	simm.s32 @!p0 $0x2  }
0x7e: {  	_ =	swait.ge @!p0 [sflag:s0], s1  }
0x7f: {  	s1 =	ssub.s32 @!p0 $0x0, s1;
	[sflag:s0] =	ssyncset.done @!p0 $0x0  }
0x80: {  	[sflag:s0] =	ssyncadd.s32 @!p0 s1  }
0x81: {  	[bflag:$0x3] =	sbarrier.arrive $0xFFFF  }
0x82: {  	_ =	shalt  }

// kernel: kernel.15.cloned.1.call-start
scs
__scs_entry_jumppad:
0x0: {  	(pc) =	sbr.rel $0x88, $3  }
0x1: {  	(tag) =	ssettag $0x0;
	lr =	simm.s32 $0x1  }
0x2: {  	[smem:$0x3F96] =	sst lr;
	_ =	strace $0xD0000000  }
0x3: {  	_ = 	snop  }
0x4: {  	_ = 	snop  }
0x5: {  	_ = 	snop  }
0x6: {  	_ = 	snop  }
0x7: {  	_ = 	snop  }
__scs_overlays_trampoline_lowered:
0x8: {  	[smem:$0x3FA5] =	sst s0  }
0x9: {  	[smem:$0x3FA6] =	sst s1  }
0xa: {  	[smem:$0x3FA7] =	sst s2  }
0xb: {  	[smem:$0x3FA8] =	sst s3  }
0xc: {  	[smem:$0x3FA9] =	sst s4  }
0xd: {  	[smem:$0x3FAA] =	sst s5  }
0xe: {  	[smem:$0x3FAB] =	sst s6  }
0xf: {  	[smem:$0x3FAC] =	sst s7  }
0x10: {  	[smem:$0x3FAD] =	sst s8  }
0x11: {  	[smem:$0x3FAE] =	sst s9;
	s0 =	simm.s32 @!p0 $0x0  }
0x12: {  	s1 =	sld [smem:$0x3F94];
	s0 =	simm.s32 @p0 $0x1  }
0x13: {  	[smem:$0x3FAF] =	sst s0;
	s0 =	simm.s32 @!p1 $0x0  }
0x14: {  	s2 =	sld [smem:$0x3F93];
	s0 =	simm.s32 @p1 $0x1  }
0x15: {  	[smem:$0x3FB0] =	sst s0;
	s0 =	simm.s32 @!p2 $0x0  }
0x16: {  	s3 =	sld [smem:$0x3FDB];
	s0 =	simm.s32 @p2 $0x1  }
0x17: {  	s4 =	simm.s32 $0x1BF5;
	[smem:$0x3FB2] =	sst s0  }
0x18: {  	s0 =	sld [smem:$0x3F95];
	_ =	swait.ge [sflag:s4], $0x0  }
0x19: {  	s7 =	sld [smem:$0x3F96]  }
0x1a: {  	s8 =	sadd.s32 $0xFFFFE003, lr  }
0x1b: {  	s9 =	sadd.s32 $0xFFFFFEF7, lr;
	s5 =	simm.s32 $0xFFFFFFFF;
	p2 =	slt.u32 s8, $0xFFFFF086  }
0x1c: {  	p1 =	slt.u32 s9, $0xF7A;
	s5 =	simm.s32 @!p2 $0x0  }
0x1d: {  	s5 =	simm.s32 @p1 $0x1;
	p0 =	seq.s32 s7, s2  }
0x1e: {  	s7 =	smul.u32 @!p0 $0xF7A, s2;
	p2 =	seq.s32 @!p0 s5, $0x0  }
0x1f: {  	s9 =	smul.u32 $0xF7A, s1;
	s8 =	simm.s32 @!p0 $0x1BF5;
	p2 =	por !p2, p0  }
0x20: {  	[sflag:s8] =	ssyncset.s32 @!p0 $0xFFFFF086;
	s6 =	sadd.s32 @!p0 s3, s7;
	s7 =	simm.s32 @!p0 $0x108  }
0x21: {  	s3 =	sadd.s32 s3, s9;
	s6 =	sadd.s32 @!p0 $0x88, s6;
	s7 =	simm.s32 @p2 $0x1082  }
0x22: {  	[simem:s7], [sflag:s8] =	dma.local @!p0 [hbm:s6], $0xF7A  }
0x23: {  	s9 =	sor.u32 $0xD0000000, s2;
	s6 =	simm.s32 $0x108;
	_ =	swait.ge @!p0 [sflag:s8], $0x0  }
0x24: {  	s3 =	sadd.s32 $0x88, s3;
	s6 =	simm.s32 @!p1 $0x1082;
	[sflag:s4] =	ssyncset.s32 $0xFFFFF086  }
0x25: {  	[simem:s6], [sflag:s4] =	dma.local [hbm:s3], $0xF7A  }
0x26: {  	[smem:$0x3F96] =	sst s1;
	(tag) =	ssettag s2;
	_ =	strace s9  }
0x27: {  	s1 =	sld [smem:$0x3FA6]  }
0x28: {  	s2 =	sld [smem:$0x3FA7]  }
0x29: {  	s4 =	sld [smem:$0x3FA9]  }
0x2a: {  	p0 =	seq.s32 s5, $0x0;
	s5 =	sld [smem:$0x3FAA]  }
0x2b: {  	s6 =	sld [smem:$0x3FAB]  }
0x2c: {  	s7 =	sld [smem:$0x3FAC]  }
0x2d: {  	s3 =	simm.s32 $0x108;
	s8 =	sld [smem:$0x3FAD]  }
0x2e: {  	s3 =	simm.s32 @!p0 $0x1082;
	s9 =	sld [smem:$0x3FAE]  }
0x2f: {  	lr =	sadd.s32 s0, s3;
	s0 =	sld [smem:$0x3FA5]  }
0x30: {  	s3 =	sld [smem:$0x3FA8]  }
0x31: {  	[smem:$0x3FB1] =	sst s10  }
0x32: {  	s10 =	sld [smem:$0x3FAF];
	_ =	sdelay $0x3  }
0x33: {  	p0 =	seq.s32 s10, $0x1;
	s10 =	sld [smem:$0x3FB1];
	_ =	sdelay $0x3  }
0x34: {  	[smem:$0x3FB1] =	sst s10  }
0x35: {  	s10 =	sld [smem:$0x3FB0];
	_ =	sdelay $0x3  }
0x36: {  	p1 =	seq.s32 s10, $0x1;
	s10 =	sld [smem:$0x3FB1];
	_ =	sdelay $0x3  }
0x37: {  	[smem:$0x3FB1] =	sst s10  }
0x38: {  	s10 =	sld [smem:$0x3FB2]  }
0x39: {  	_ = 	snop;
	(pc) =	sbr.ind lr, $3  }
0x3a: {  	_ = 	snop  }
0x3b: {  	_ = 	snop  }
0x3c: {  	p2 =	seq.s32 s10, $0x1;
	s10 =	sld [smem:$0x3FB1]  }
0x3d: {  	_ =	shalt  }
0x3e: {  	_ =	shalt  }
0x3f: {  	_ =	shalt  }
0x40: {  	_ =	shalt  }
0x41: {  	_ =	shalt  }
0x42: {  	_ =	shalt  }
0x43: {  	_ =	shalt  }
0x44: {  	_ =	shalt  }
0x45: {  	_ =	shalt  }
0x46: {  	_ =	shalt  }
0x47: {  	_ =	shalt  }
0x48: {  	_ =	shalt  }
0x49: {  	_ =	shalt  }
0x4a: {  	_ =	shalt  }
0x4b: {  	_ =	shalt  }
0x4c: {  	_ =	shalt  }
0x4d: {  	_ =	shalt  }
0x4e: {  	_ =	shalt  }
0x4f: {  	_ =	shalt  }
0x50: {  	_ =	shalt  }
0x51: {  	_ =	shalt  }
0x52: {  	_ =	shalt  }
0x53: {  	_ =	shalt  }
0x54: {  	_ =	shalt  }
0x55: {  	_ =	shalt  }
0x56: {  	_ =	shalt  }
0x57: {  	_ =	shalt  }
0x58: {  	_ =	shalt  }
0x59: {  	_ =	shalt  }
0x5a: {  	_ =	shalt  }
0x5b: {  	_ =	shalt  }
0x5c: {  	_ =	shalt  }
0x5d: {  	_ =	shalt  }
0x5e: {  	_ =	shalt  }
0x5f: {  	_ =	shalt  }
0x60: {  	_ =	shalt  }
0x61: {  	_ =	shalt  }
0x62: {  	_ =	shalt  }
0x63: {  	_ =	shalt  }
0x64: {  	_ =	shalt  }
0x65: {  	_ =	shalt  }
0x66: {  	_ =	shalt  }
0x67: {  	_ =	shalt  }
0x68: {  	_ =	shalt  }
0x69: {  	_ =	shalt  }
0x6a: {  	_ =	shalt  }
0x6b: {  	_ =	shalt  }
0x6c: {  	_ =	shalt  }
0x6d: {  	_ =	shalt  }
0x6e: {  	_ =	shalt  }
0x6f: {  	_ =	shalt  }
0x70: {  	_ =	shalt  }
0x71: {  	_ =	shalt  }
0x72: {  	_ =	shalt  }
0x73: {  	_ =	shalt  }
0x74: {  	_ =	shalt  }
0x75: {  	_ =	shalt  }
0x76: {  	_ =	shalt  }
0x77: {  	_ =	shalt  }
0x78: {  	_ =	shalt  }
0x79: {  	_ =	shalt  }
0x7a: {  	_ =	shalt  }
0x7b: {  	_ =	shalt  }
0x7c: {  	_ =	shalt  }
0x7d: {  	_ =	shalt  }
0x7e: {  	_ =	shalt  }
0x7f: {  	_ =	shalt  }
0x80: {  	_ =	shalt  }
0x81: {  	_ =	shalt  }
0x82: {  	_ =	shalt  }
0x83: {  	_ =	shalt  }
0x84: {  	_ =	shalt  }
0x85: {  	_ =	shalt  }
0x86: {  	_ =	shalt  }
0x87: {  	_ =	shalt  }
.Lfunc_end0:
.L_simem_size_0:
called_computation.2_lowered:
.L_overlay_start_0:
0x88: {  	s2 =	sld [smem:$0x3FD9]  }
0x89: {  	s3 =	sld [smem:$0x3FFE];
	_ =	sdelay $0x1  }
0x8a: {  	s1 =	srdreg.scid  }
0x8b: {  	s0 =	sand.u32 $0x1, s1  }
0x8c: {  	s16 =	sshll.u32 s0, $0xA;
	s2 =	sadd.s32 s3, s2  }
0x8d: {  	s2 =	sadd.s32 s2, s16  }
0x8e: {  	[smem:$0x3FBD] =	sst s2  }
0x8f: {  	_ = 	snop  }
0x90: {  	(tm) =	ssettm $0x1  }
0x91: {  	s17 =	sld [smem:$0x3FFB];
	_ =	sdelay $0x3  }
0x92: {  	_ =	strace s17  }
0x93: {  	s2 =	sld [smem:$0x3FFC];
	_ =	sdelay $0x3  }
0x94: {  	_ =	strace s2  }
0x95: {  	s2 =	sld [smem:$0x3FFD];
	_ =	sdelay $0x3  }
0x96: {  	_ =	strace s2  }
0x97: {  	_ =	strace $0x8FFFFFFF  }
0x98: {  	s18 =	sld [smem:$0x3FDB];
	_ =	sdelay $0x1  }
0x99: {  	s19 =	simm.s32 $_scs_section_size  }
0x9a: {  	s4 =	simm.s32 $_size__tile_overlayer_lowered;
	s5 =	simm.s32 $_tile_overlayer_lowered  }
0x9b: {  	s22 =	simm.s32 $0x1BFF;
	s21 =	sshll.u32 s5, $0x1;
	s2 =	sadd.s32 s19, s18  }
0x9c: {  	s6 =	simm.s32 $0x0;
	s20 =	sshll.u32 s4, $0x1;
	s4 =	sadd.s32 s21, s2  }
0x9d: {  	[timem:s6], [sflag:s22] =	dma.local [hbm:s4], s20  }
0x9e: {  	_ =	swait.ge [sflag:s22], s20  }
0x9f: {  	s3 =	ssub.s32 $0x0, s20;
	[sflag:s22] =	ssyncset.done $0x0  }
0xa0: {  	[sflag:s22] =	ssyncadd.s32 s3;
	_ =	sdelay $0x1  }
0xa1: {  	s23 =	simm.s32 $0x1B8B  }
0xa2: {  	_ =	swait.ge [sflag:s23], $0x1  }
0xa3: {  	[sflag:s23] =	ssyncset.done $0x0  }
0xa4: {  	s25 =	simm.s32 $0x1B8E;
	s24 =	sld [smem:$0x3FFE];
	[sflag:s23] =	ssyncadd.s32 $0xFFFFFFFF  }
0xa5: {  	s26 =	simm.s32 $execute0_lowered;
	[smem:$0x3FD2] =	sst s25  }
0xa6: {  	s4 =	sshll.u32 s26, $0x1;
	_ =	strace $0x8000004C;
	[dreg:$0x1] =	wrdreg $0xFFFFFFFF  }
0xa7: {  	s28 =	simm.s32 $_size_execute0_lowered;
	s2 =	sadd.s32 s2, s4;
	[dreg:$0x0] =	wrdreg $0x0  }
0xa8: {  	s4 =	sshll.u32 s28, $0x1;
	[dreg:$0x2] =	wrdreg s2  }
0xa9: {  	[dreg:$0x3] =	wrdreg s4  }
0xaa: {  	[dreg:$0x4] =	wrdreg $0xC0  }
0xab: {  	_ =	task [dreg:s6], $0x5FFFF  }
0xac: {  	[dreg:$0x1] =	wrdreg $0xFFFFFFFF  }
0xad: {  	[dreg:$0x0] =	wrdreg $0x60  }
0xae: {  	[dreg:$0x2] =	wrdreg s24  }
0xaf: {  	[dreg:$0x3] =	wrdreg $0xA9000  }
0xb0: {  	[dreg:$0x4] =	wrdreg $0x9  }
0xb1: {  	_ =	task.clear_ibuf [dreg:s6], $0x5FFFF;
	_ =	strace $0x9000004C  }
0xb2: {  	s29 =	simm.s32 $0x9;
	_ =	strace $0x8000004E  }
0xb3: {  	_ =	swait.ge [sflag:s29], $0x1  }
0xb4: {  	[sflag:s29] =	ssyncadd.s32 $0xFFFFFFFF  }
0xb5: {  	_ =	strace $0x9000004E  }
0xb6: {  	_ =	sfence  }
0xb7: {  	s30 =	sld [smem:$0x0];
	_ =	sdelay $0x2  }
0xb8: {  	s31 =	sshll.u32 s1, $0xD;
	s1 =	sshrl.u32 s1, $0x2  }
0xb9: {  	s3 =	sand.u32 $0x4000, s31;
	s1 =	sadd.s32 s1, s30  }
0xba: {  	s0 =	sor.u32 s3, s0;
	s1 =	sshll.u32 s1, $0x11  }
0xbb: {  	s0 =	sor.u32 s1, s0  }
0xbc: {  	s0 =	sadd.s32 $0x8F2B, s0  }
0xbd: {  	[sflag:s0] =	ssyncadd.remote.s32 $0x1  }
0xbe: {  	_ =	sfence.sel $0xFFFF  }
0xbf: {  	[dreg:$0x0] =	wrdreg $0xFFFFFFFF;
	(pc) =	sbr.abs _section_cstart, $3  }
0xc0: {  	[dreg:$0x1] =	wrdreg $0xFFFFFFFF  }
0xc1: {  	_ =	task.clear_ibuf [dreg:s6], $0x2FFFF;
	_ =	strace $0x9FFFFFFF  }
0xc2: {  	(tm) =	ssettm $0x7FFFFFFF  }
0xc3: {  	_ =	shalt  }
tec
execute0_lowered:
.L_overlay_start_1:
0x0: {  	(tag) =	ssettag $0x1  }
0x1: {  	s0 =	srdreg.scid;
	s6 =	rddreg [dreg:$0x0]  }
0x2: {  	s2 =	rddreg [dreg:$0x1];
	s3 =	simm.s32 $0x0;
	s17 =	simm.s32 $0x2900  }
0x3: {  	s18 =	simm.s32 $0x1;
	s5 =	sand.u32 $0x1, s0;
	s0 =	stileid.u32  }
0x4: {  	s19 =	simm.s32 $0x6900;
	s20 =	simm.s32 $0x2800;
	s8 =	smul.u32 $0x13C00, s0  }
0x5: {  	s21 =	simm.s32 $0x2880;
	s22 =	simm.s32 $0x0;
	s9 =	smul.u32 $0x13C000, s5  }
0x6: {  	[smem:$0x7FF] =	sst s3;
	s12 =	sadd.s32 $0xE200, s6;
	s25 =	smul.u32 $0x4F000, s0  }
0x7: {  	s1 =	sshll.u32 s5, $0x4;
	s26 =	ssub.s32 $0x2, s5;
	s13 =	smul.u32 $0x28000, s5  }
0x8: {  	s14 =	smul.u32 $0x2800, s0;
	s31 =	sshll.u32 s0, $0x6;
	s7 =	sor.u32 s0, s1  }
0x9: {  	s1 =	rddreg [dreg:$0x2];
	_ =	strace $0x8000004D;
	s28 =	sshrl.u32 s26, $0x1  }
0xa: {  	s4 =	smul.u32 $0x500, s7;
	s11 =	sshrl.u32 s8, $0x3;
	s8 =	sadd.s32 s8, s9  }
0xb: {  	s7 =	smul.u32 $0x2800, s7;
	s15 =	ssub.s32 s26, s28;
	s29 =	sadd.s32 s14, s13  }
0xc: {  	s14 =	sor.u32 $0x1C02, s31;
	s24 =	sadd.s32 s11, s6;
	s8 =	sshrl.u32 s8, $0x3  }
0xd: {  	s11 =	sshrl.u32 s25, $0x2;
	s30 =	sor.u32 $0x100, s29;
	s9 =	smax.u32 s15, $0x1  }
0xe: {  	s13 =	sor.u32 $0x80, s29;
	s10 =	sadd.s32 s4, s6;
	s4 =	sadd.s32 $0x66C00, s6  }
0xf: {  	s8 =	sadd.s32 s8, s6;
	s16 =	sadd.s32 s11, s2;
	s6 =	sadd.s32 $0x18200, s24  }
0x10: {  	s7 =	sshrl.u32 s7, $0x3;
	s11 =	sshrl.u32 s30, $0x3;
	s13 =	sshrl.u32 s13, $0x3  }
0x11: {  	s5 =	sadd.s32 $0x4200, s10;
	s7 =	sadd.s32 s12, s7;
	s8 =	sadd.s32 $0x8DE00, s8  }
0x12: {  	s11 =	sadd.s32 s11, s12;
	s12 =	sadd.s32 s13, s12;
	s13 =	simm.s32 $0x2  }
0x13: {  	s15 =	sshrl.u32 s16, $0x3;
	s16 =	simm.s32 $0x80;
	s10 =	sadd.s32 $0x4F0, s7  }
.LBB2_1:
0x14: {  	s23 =	simm.s32 $0x100  }
0x15: {  	[tilespmem:s23], [sflag:$0x2] =	stream.linear.gather [hbm4b:s5+s3], $0x2800, $0x38;
	[tilespmem:$0x1E500] =	vst v63  }
0x16: {  	_ =	swait.ge [sflag:s13], $0x2800  }
0x17: {  	[sflag:s13] =	ssyncset.done $0x0  }
0x18: {  	[sflag:s13] =	ssyncadd.s32 $0xFFFFD800  }
0x19: {  	[spmem:s15], [sflag:s14] =	dma.local [hbm:s6], $0x2780  }
0x1a: {  	_ =	swait.ge [sflag:s13], $0x2780  }
0x1b: {  	[sflag:s13] =	ssyncset.done $0x0  }
0x1c: {  	[sflag:s13] =	ssyncadd.s32 $0xFFFFD880  }
0x1d: {  	[bflag:$0x0] =	sbarrier.arrive $0xFFFF  }
0x1e: {  	[tilespmem:s3], [sflag:$0x2] =	stream.linear.gather [hbm4b:s7+s3], $0x80, $0x38;
	[tilespmem:$0x1E500] =	vst v63  }
0x1f: {  	_ =	swait.ge [sflag:s13], $0x80  }
0x20: {  	[sflag:s13] =	ssyncset.done $0x0  }
0x21: {  	[sflag:s13] =	ssyncadd.s32 $0xFFFFFF80  }
0x22: {  	[tilespmem:s17], [sflag:$0x1] =	stream.indirect.gather [hbm4b:s4+s16], $0x80, s3, s16, $0xb8;
	[tilespmem:$0x1E500] =	vst v63  }
0x23: {  	s24 =	sadd.s32 $0x0, s12  }
0x24: {  	[tilespmem:s16], [sflag:$0x2] =	stream.linear.gather [hbm4b:s24+s3], $0x80, $0x38;
	[tilespmem:$0x1E500] =	vst v63  }
0x25: {  	_ =	swait.ge [sflag:s13], $0x80  }
0x26: {  	[sflag:s13] =	ssyncset.done $0x0  }
0x27: {  	[sflag:s13] =	ssyncadd.s32 $0xFFFFFF80  }
0x28: {  	_ =	swait.ge [sflag:s18], $0x4000  }
0x29: {  	[sflag:s18] =	ssyncset.done $0x0  }
0x2a: {  	[sflag:s18] =	ssyncadd.s32 $0xFFFFC000  }
0x2b: {  	[tilespmem:s19], [sflag:$0x1] =	stream.indirect.gather [hbm4b:s4+s16], $0x80, s16, s16, $0xb8;
	[tilespmem:$0x1E500] =	vst v63  }
0x2c: {  	_ = 	snop  }
0x2d: {  	[spmem:s2] =	stream.indirect.scatter.add.f32 [tilespmem:s17], [sflag:$0x2], $0x80, s23, s16, $0xb8;
	[tilespmem:$0x1E500] =	vst v63  }
0x2e: {  	_ =	swait.ge [sflag:s13], $0x4000  }
0x2f: {  	[sflag:s13] =	ssyncset.done $0x0  }
0x30: {  	s30 =	sadd.s32 $0x0, s11;
	[sflag:s13] =	ssyncadd.s32 $0xFFFFC000  }
0x31: {  	[tilespmem:s3], [sflag:$0x2] =	stream.linear.gather [hbm4b:s30+s3], $0x80, $0x38;
	[tilespmem:$0x1E500] =	vst v63  }
0x32: {  	_ =	swait.ge [sflag:s13], $0x80  }
0x33: {  	[sflag:s13] =	ssyncset.done $0x0  }
0x34: {  	[sflag:s13] =	ssyncadd.s32 $0xFFFFFF80  }
0x35: {  	_ =	swait.ge [sflag:s18], $0x4000  }
0x36: {  	[sflag:s18] =	ssyncset.done $0x0  }
0x37: {  	[sflag:s18] =	ssyncadd.s32 $0xFFFFC000  }
0x38: {  	[tilespmem:s17], [sflag:$0x1] =	stream.indirect.gather [hbm4b:s4+s16], $0x80, s3, s16, $0xb8;
	[tilespmem:$0x1E500] =	vst v63  }
0x39: {  	s31 =	simm.s32 $0x180  }
0x3a: {  	[spmem:s2] =	stream.indirect.scatter.add.f32 [tilespmem:s19], [sflag:$0x2], $0x80, s31, s16, $0xb8;
	[tilespmem:$0x1E500] =	vst v63  }
0x3b: {  	_ =	swait.ge [sflag:s13], $0x4000  }
0x3c: {  	s24 =	simm.s32 $0x20;
	[sflag:s13] =	ssyncset.done $0x0  }
.LBB2_2:
0x3d: {  	p0 =	sne.s32 s24, $0x4C0;
	[sflag:s13] =	ssyncadd.s32 $0xFFFFC000;
	s23 =	sadd.s32 $0x100, s23  }
0x3e: {  	s25 =	sadd.s32 s24, s12;
	s26 =	smov.u32 s24;
	s24 =	sadd.s32 $0x20, s24  }
0x3f: {  	[tilespmem:s16], [sflag:$0x2] =	stream.linear.gather [hbm4b:s25+s3], $0x80, $0x38;
	[tilespmem:$0x1E500] =	vst v63  }
0x40: {  	_ =	swait.ge [sflag:s13], $0x80  }
0x41: {  	[sflag:s13] =	ssyncset.done $0x0  }
0x42: {  	[sflag:s13] =	ssyncadd.s32 $0xFFFFFF80  }
0x43: {  	_ =	swait.ge [sflag:s18], $0x4000  }
0x44: {  	[sflag:s18] =	ssyncset.done $0x0  }
0x45: {  	[sflag:s18] =	ssyncadd.s32 $0xFFFFC000  }
0x46: {  	[tilespmem:s19], [sflag:$0x1] =	stream.indirect.gather [hbm4b:s4+s16], $0x80, s16, s16, $0xb8;
	[tilespmem:$0x1E500] =	vst v63  }
0x47: {  	_ = 	snop  }
0x48: {  	[spmem:s2] =	stream.indirect.scatter.add.f32 [tilespmem:s17], [sflag:$0x2], $0x80, s23, s16, $0xb8;
	[tilespmem:$0x1E500] =	vst v63  }
0x49: {  	_ =	swait.ge [sflag:s13], $0x4000  }
0x4a: {  	[sflag:s13] =	ssyncset.done $0x0  }
0x4b: {  	s25 =	sadd.s32 s26, s11;
	[sflag:s13] =	ssyncadd.s32 $0xFFFFC000  }
0x4c: {  	[tilespmem:s3], [sflag:$0x2] =	stream.linear.gather [hbm4b:s25+s3], $0x80, $0x38;
	[tilespmem:$0x1E500] =	vst v63  }
0x4d: {  	_ =	swait.ge [sflag:s13], $0x80  }
0x4e: {  	[sflag:s13] =	ssyncset.done $0x0  }
0x4f: {  	[sflag:s13] =	ssyncadd.s32 $0xFFFFFF80  }
0x50: {  	_ =	swait.ge [sflag:s18], $0x4000  }
0x51: {  	[sflag:s18] =	ssyncset.done $0x0  }
0x52: {  	[sflag:s18] =	ssyncadd.s32 $0xFFFFC000  }
0x53: {  	[tilespmem:s17], [sflag:$0x1] =	stream.indirect.gather [hbm4b:s4+s16], $0x80, s3, s16, $0xb8;
	[tilespmem:$0x1E500] =	vst v63  }
.Ltmp0:
0x54: {  	_ = 	snop;
	(pc) =	sbr.rel @p0 .LBB2_2-.Ltmp0, $4  }
0x55: {  	s25 =	sadd.s32 $0x80, s23  }
0x56: {  	[spmem:s2] =	stream.indirect.scatter.add.f32 [tilespmem:s19], [sflag:$0x2], $0x80, s25, s16, $0xb8;
	[tilespmem:$0x1E500] =	vst v63  }
0x57: {  	_ =	swait.ge [sflag:s13], $0x4000  }
0x58: {  	[sflag:s13] =	ssyncset.done $0x0  }
0x59: {  	[sflag:s13] =	ssyncadd.s32 $0xFFFFC000  }
0x5a: {  	[tilespmem:s16], [sflag:$0x2] =	stream.linear.gather [hbm4b:s10+s3], $0x80, $0x38;
	[tilespmem:$0x1E500] =	vst v63  }
0x5b: {  	_ =	swait.ge [sflag:s13], $0x80  }
0x5c: {  	[sflag:s13] =	ssyncset.done $0x0  }
0x5d: {  	[sflag:s13] =	ssyncadd.s32 $0xFFFFFF80  }
0x5e: {  	_ =	swait.ge [sflag:s18], $0x4000  }
0x5f: {  	[sflag:s18] =	ssyncset.done $0x0  }
0x60: {  	[sflag:s18] =	ssyncadd.s32 $0xFFFFC000  }
0x61: {  	[tilespmem:s19], [sflag:$0x1] =	stream.indirect.gather [hbm4b:s4+s16], $0x80, s16, s16, $0xb8;
	[tilespmem:$0x1E500] =	vst v63  }
0x62: {  	_ = 	snop  }
0x63: {  	[spmem:s2] =	stream.indirect.scatter.add.f32 [tilespmem:s17], [sflag:$0x2], $0x80, s20, s16, $0xb8;
	[tilespmem:$0x1E500] =	vst v63  }
0x64: {  	_ =	swait.ge [sflag:s13], $0x4000  }
0x65: {  	[sflag:s13] =	ssyncset.done $0x0  }
0x66: {  	[sflag:s13] =	ssyncadd.s32 $0xFFFFC000  }
0x67: {  	_ =	swait.ge [sflag:s18], $0x4000  }
0x68: {  	[sflag:s18] =	ssyncset.done $0x0  }
0x69: {  	[sflag:s18] =	ssyncadd.s32 $0xFFFFC000  }
0x6a: {  	[spmem:s2] =	stream.indirect.scatter.add.f32 [tilespmem:s19], [sflag:$0x2], $0x80, s21, s16, $0xb8;
	[tilespmem:$0x1E500] =	vst v63  }
0x6b: {  	_ =	swait.ge [sflag:s13], $0x4000  }
0x6c: {  	s22 =	sadd.s32 $0x1, s22;
	[sflag:s13] =	ssyncset.done $0x0  }
0x6d: {  	p0 =	sne.s32 s22, s9;
	[sflag:s13] =	ssyncadd.s32 $0xFFFFC000  }
.Ltmp1:
0x6e: {  	[bflag:$0x0] =	sbarrier.arrive $0xFFFF;
	(pc) =	sbr.rel @p0 .LBB2_1-.Ltmp1, $4  }
0x6f: {  	[hbm:s8], [sflag:s14] =	dma.local [spmem:s15], $0x2780  }
0x70: {  	_ =	swait.ge [sflag:s13], $0x2780  }
0x71: {  	[sflag:s13] =	ssyncset.done $0x0  }
0x72: {  	[sflag:s13] =	ssyncadd.s32 $0xFFFFD880  }
0x73: {  	_ =	sfence.sel $0x180000  }
0x74: {  	[bflag:$0x0] =	sbarrier.arrive $0xFFFF  }
0x75: {  	p0 =	sne.s32 s0, $0x0;
	_ =	strace $0x9000004D  }
0x76: {  	s0 =	sadd.s32 @!p0 $0x100000, s1;
	[bflag:$0x2] =	sbarrier.arrive $0xFFFF  }
0x77: {  	[sflag:s0] =	ssyncadd.tile.s32 @!p0 $0x1;
	_ =	shalt  }
.Lfunc_end2:
_tile_overlayer_lowered:
.L_overlay_start_2:
0x78: {  	(tag) =	ssettag $0x2  }
0x79: {  	s0 =	rddreg [dreg:$0x0];
	s2 =	stileid.u32  }
0x7a: {  	s1 =	rddreg [dreg:$0x1];
	p0 =	sne.s32 s2, $0x0  }
0x7b: {  	s3 =	rddreg [dreg:$0x2];
	[bflag:$0x3] =	sbarrier.arrive $0xFFFF;
	s2 =	simm.s32 @!p0 $0x1C02  }
0x7c: {  	[timem:s3], [sflag:s2] =	dma.local @!p0 [hbm:s0], s1  }
0x7d: {  	s0 =	simm.s32 @!p0 $0x2  }
0x7e: {  	_ =	swait.ge @!p0 [sflag:s0], s1  }
0x7f: {  	s1 =	ssub.s32 @!p0 $0x0, s1;
	[sflag:s0] =	ssyncset.done @!p0 $0x0  }
0x80: {  	[sflag:s0] =	ssyncadd.s32 @!p0 s1  }
0x81: {  	[bflag:$0x3] =	sbarrier.arrive $0xFFFF  }
0x82: {  	_ =	shalt  }

// kernel: kernel.9.cloned.1.call-start
scs
__scs_entry_jumppad:
0x0: {  	(pc) =	sbr.rel $0x88, $3  }
0x1: {  	(tag) =	ssettag $0x0;
	lr =	simm.s32 $0x1  }
0x2: {  	[smem:$0x3F96] =	sst lr;
	_ =	strace $0xD0000000  }
0x3: {  	_ = 	snop  }
0x4: {  	_ = 	snop  }
0x5: {  	_ = 	snop  }
0x6: {  	_ = 	snop  }
0x7: {  	_ = 	snop  }
__scs_overlays_trampoline_lowered:
0x8: {  	[smem:$0x3FA5] =	sst s0  }
0x9: {  	[smem:$0x3FA6] =	sst s1  }
0xa: {  	[smem:$0x3FA7] =	sst s2  }
0xb: {  	[smem:$0x3FA8] =	sst s3  }
0xc: {  	[smem:$0x3FA9] =	sst s4  }
0xd: {  	[smem:$0x3FAA] =	sst s5  }
0xe: {  	[smem:$0x3FAB] =	sst s6  }
0xf: {  	[smem:$0x3FAC] =	sst s7  }
0x10: {  	[smem:$0x3FAD] =	sst s8  }
0x11: {  	[smem:$0x3FAE] =	sst s9;
	s0 =	simm.s32 @!p0 $0x0  }
0x12: {  	s1 =	sld [smem:$0x3F94];
	s0 =	simm.s32 @p0 $0x1  }
0x13: {  	[smem:$0x3FAF] =	sst s0;
	s0 =	simm.s32 @!p1 $0x0  }
0x14: {  	s2 =	sld [smem:$0x3F93];
	s0 =	simm.s32 @p1 $0x1  }
0x15: {  	[smem:$0x3FB0] =	sst s0;
	s0 =	simm.s32 @!p2 $0x0  }
0x16: {  	s3 =	sld [smem:$0x3FDB];
	s0 =	simm.s32 @p2 $0x1  }
0x17: {  	s4 =	simm.s32 $0x1BF5;
	[smem:$0x3FB2] =	sst s0  }
0x18: {  	s0 =	sld [smem:$0x3F95];
	_ =	swait.ge [sflag:s4], $0x0  }
0x19: {  	s7 =	sld [smem:$0x3F96]  }
0x1a: {  	s8 =	sadd.s32 $0xFFFFE003, lr  }
0x1b: {  	s9 =	sadd.s32 $0xFFFFFEF7, lr;
	s5 =	simm.s32 $0xFFFFFFFF;
	p2 =	slt.u32 s8, $0xFFFFF086  }
0x1c: {  	p1 =	slt.u32 s9, $0xF7A;
	s5 =	simm.s32 @!p2 $0x0  }
0x1d: {  	s5 =	simm.s32 @p1 $0x1;
	p0 =	seq.s32 s7, s2  }
0x1e: {  	s7 =	smul.u32 @!p0 $0xF7A, s2;
	p2 =	seq.s32 @!p0 s5, $0x0  }
0x1f: {  	s9 =	smul.u32 $0xF7A, s1;
	s8 =	simm.s32 @!p0 $0x1BF5;
	p2 =	por !p2, p0  }
0x20: {  	[sflag:s8] =	ssyncset.s32 @!p0 $0xFFFFF086;
	s6 =	sadd.s32 @!p0 s3, s7;
	s7 =	simm.s32 @!p0 $0x108  }
0x21: {  	s3 =	sadd.s32 s3, s9;
	s6 =	sadd.s32 @!p0 $0x88, s6;
	s7 =	simm.s32 @p2 $0x1082  }
0x22: {  	[simem:s7], [sflag:s8] =	dma.local @!p0 [hbm:s6], $0xF7A  }
0x23: {  	s9 =	sor.u32 $0xD0000000, s2;
	s6 =	simm.s32 $0x108;
	_ =	swait.ge @!p0 [sflag:s8], $0x0  }
0x24: {  	s3 =	sadd.s32 $0x88, s3;
	s6 =	simm.s32 @!p1 $0x1082;
	[sflag:s4] =	ssyncset.s32 $0xFFFFF086  }
0x25: {  	[simem:s6], [sflag:s4] =	dma.local [hbm:s3], $0xF7A  }
0x26: {  	[smem:$0x3F96] =	sst s1;
	(tag) =	ssettag s2;
	_ =	strace s9  }
0x27: {  	s1 =	sld [smem:$0x3FA6]  }
0x28: {  	s2 =	sld [smem:$0x3FA7]  }
0x29: {  	s4 =	sld [smem:$0x3FA9]  }
0x2a: {  	p0 =	seq.s32 s5, $0x0;
	s5 =	sld [smem:$0x3FAA]  }
0x2b: {  	s6 =	sld [smem:$0x3FAB]  }
0x2c: {  	s7 =	sld [smem:$0x3FAC]  }
0x2d: {  	s3 =	simm.s32 $0x108;
	s8 =	sld [smem:$0x3FAD]  }
0x2e: {  	s3 =	simm.s32 @!p0 $0x1082;
	s9 =	sld [smem:$0x3FAE]  }
0x2f: {  	lr =	sadd.s32 s0, s3;
	s0 =	sld [smem:$0x3FA5]  }
0x30: {  	s3 =	sld [smem:$0x3FA8]  }
0x31: {  	[smem:$0x3FB1] =	sst s10  }
0x32: {  	s10 =	sld [smem:$0x3FAF];
	_ =	sdelay $0x3  }
0x33: {  	p0 =	seq.s32 s10, $0x1;
	s10 =	sld [smem:$0x3FB1];
	_ =	sdelay $0x3  }
0x34: {  	[smem:$0x3FB1] =	sst s10  }
0x35: {  	s10 =	sld [smem:$0x3FB0];
	_ =	sdelay $0x3  }
0x36: {  	p1 =	seq.s32 s10, $0x1;
	s10 =	sld [smem:$0x3FB1];
	_ =	sdelay $0x3  }
0x37: {  	[smem:$0x3FB1] =	sst s10  }
0x38: {  	s10 =	sld [smem:$0x3FB2]  }
0x39: {  	_ = 	snop;
	(pc) =	sbr.ind lr, $3  }
0x3a: {  	_ = 	snop  }
0x3b: {  	_ = 	snop  }
0x3c: {  	p2 =	seq.s32 s10, $0x1;
	s10 =	sld [smem:$0x3FB1]  }
0x3d: {  	_ =	shalt  }
0x3e: {  	_ =	shalt  }
0x3f: {  	_ =	shalt  }
0x40: {  	_ =	shalt  }
0x41: {  	_ =	shalt  }
0x42: {  	_ =	shalt  }
0x43: {  	_ =	shalt  }
0x44: {  	_ =	shalt  }
0x45: {  	_ =	shalt  }
0x46: {  	_ =	shalt  }
0x47: {  	_ =	shalt  }
0x48: {  	_ =	shalt  }
0x49: {  	_ =	shalt  }
0x4a: {  	_ =	shalt  }
0x4b: {  	_ =	shalt  }
0x4c: {  	_ =	shalt  }
0x4d: {  	_ =	shalt  }
0x4e: {  	_ =	shalt  }
0x4f: {  	_ =	shalt  }
0x50: {  	_ =	shalt  }
0x51: {  	_ =	shalt  }
0x52: {  	_ =	shalt  }
0x53: {  	_ =	shalt  }
0x54: {  	_ =	shalt  }
0x55: {  	_ =	shalt  }
0x56: {  	_ =	shalt  }
0x57: {  	_ =	shalt  }
0x58: {  	_ =	shalt  }
0x59: {  	_ =	shalt  }
0x5a: {  	_ =	shalt  }
0x5b: {  	_ =	shalt  }
0x5c: {  	_ =	shalt  }
0x5d: {  	_ =	shalt  }
0x5e: {  	_ =	shalt  }
0x5f: {  	_ =	shalt  }
0x60: {  	_ =	shalt  }
0x61: {  	_ =	shalt  }
0x62: {  	_ =	shalt  }
0x63: {  	_ =	shalt  }
0x64: {  	_ =	shalt  }
0x65: {  	_ =	shalt  }
0x66: {  	_ =	shalt  }
0x67: {  	_ =	shalt  }
0x68: {  	_ =	shalt  }
0x69: {  	_ =	shalt  }
0x6a: {  	_ =	shalt  }
0x6b: {  	_ =	shalt  }
0x6c: {  	_ =	shalt  }
0x6d: {  	_ =	shalt  }
0x6e: {  	_ =	shalt  }
0x6f: {  	_ =	shalt  }
0x70: {  	_ =	shalt  }
0x71: {  	_ =	shalt  }
0x72: {  	_ =	shalt  }
0x73: {  	_ =	shalt  }
0x74: {  	_ =	shalt  }
0x75: {  	_ =	shalt  }
0x76: {  	_ =	shalt  }
0x77: {  	_ =	shalt  }
0x78: {  	_ =	shalt  }
0x79: {  	_ =	shalt  }
0x7a: {  	_ =	shalt  }
0x7b: {  	_ =	shalt  }
0x7c: {  	_ =	shalt  }
0x7d: {  	_ =	shalt  }
0x7e: {  	_ =	shalt  }
0x7f: {  	_ =	shalt  }
0x80: {  	_ =	shalt  }
0x81: {  	_ =	shalt  }
0x82: {  	_ =	shalt  }
0x83: {  	_ =	shalt  }
0x84: {  	_ =	shalt  }
0x85: {  	_ =	shalt  }
0x86: {  	_ =	shalt  }
0x87: {  	_ =	shalt  }
.Lfunc_end0:
.L_simem_size_0:
called_computation_lowered:
.L_overlay_start_0:
0x88: {  	s2 =	sld [smem:$0x3FD9]  }
0x89: {  	s3 =	sld [smem:$0x3FFE];
	_ =	sdelay $0x1  }
0x8a: {  	s1 =	srdreg.scid  }
0x8b: {  	s0 =	sand.u32 $0x1, s1  }
0x8c: {  	s16 =	sshll.u32 s0, $0xA;
	s2 =	sadd.s32 s3, s2  }
0x8d: {  	s2 =	sadd.s32 s2, s16  }
0x8e: {  	[smem:$0x3FBD] =	sst s2  }
0x8f: {  	_ = 	snop  }
0x90: {  	(tm) =	ssettm $0x1  }
0x91: {  	s17 =	sld [smem:$0x3FFB];
	_ =	sdelay $0x3  }
0x92: {  	_ =	strace s17  }
0x93: {  	s2 =	sld [smem:$0x3FFC];
	_ =	sdelay $0x3  }
0x94: {  	_ =	strace s2  }
0x95: {  	s2 =	sld [smem:$0x3FFD];
	_ =	sdelay $0x3  }
0x96: {  	_ =	strace s2  }
0x97: {  	_ =	strace $0x8FFFFFFF  }
0x98: {  	s18 =	sld [smem:$0x3FDB];
	_ =	sdelay $0x1  }
0x99: {  	s19 =	simm.s32 $_scs_section_size  }
0x9a: {  	s4 =	simm.s32 $_size__tile_overlayer_lowered;
	s5 =	simm.s32 $_tile_overlayer_lowered  }
0x9b: {  	s22 =	simm.s32 $0x1BFF;
	s21 =	sshll.u32 s5, $0x1;
	s2 =	sadd.s32 s19, s18  }
0x9c: {  	s6 =	simm.s32 $0x0;
	s20 =	sshll.u32 s4, $0x1;
	s4 =	sadd.s32 s21, s2  }
0x9d: {  	[timem:s6], [sflag:s22] =	dma.local [hbm:s4], s20  }
0x9e: {  	_ =	swait.ge [sflag:s22], s20  }
0x9f: {  	s3 =	ssub.s32 $0x0, s20;
	[sflag:s22] =	ssyncset.done $0x0  }
0xa0: {  	[sflag:s22] =	ssyncadd.s32 s3;
	_ =	sdelay $0x1  }
0xa1: {  	s23 =	simm.s32 $0x1B8B  }
0xa2: {  	_ =	swait.ge [sflag:s23], $0x1  }
0xa3: {  	[sflag:s23] =	ssyncset.done $0x0  }
0xa4: {  	s25 =	simm.s32 $0x1B8E;
	s24 =	sld [smem:$0x3FFE];
	[sflag:s23] =	ssyncadd.s32 $0xFFFFFFFF  }
0xa5: {  	s26 =	simm.s32 $execute0_lowered;
	[smem:$0x3FD2] =	sst s25  }
0xa6: {  	s4 =	sshll.u32 s26, $0x1;
	_ =	strace $0x80000046;
	[dreg:$0x1] =	wrdreg $0xFFFFFFFF  }
0xa7: {  	s28 =	simm.s32 $_size_execute0_lowered;
	s2 =	sadd.s32 s2, s4;
	[dreg:$0x0] =	wrdreg $0x0  }
0xa8: {  	s4 =	sshll.u32 s28, $0x1;
	[dreg:$0x2] =	wrdreg s2  }
0xa9: {  	[dreg:$0x3] =	wrdreg s4  }
0xaa: {  	[dreg:$0x4] =	wrdreg $0xC0  }
0xab: {  	_ =	task [dreg:s6], $0x5FFFF  }
0xac: {  	[dreg:$0x1] =	wrdreg $0xFFFFFFFF  }
0xad: {  	[dreg:$0x0] =	wrdreg $0x60  }
0xae: {  	[dreg:$0x2] =	wrdreg s24  }
0xaf: {  	[dreg:$0x3] =	wrdreg $0xA9000  }
0xb0: {  	[dreg:$0x4] =	wrdreg $0x9  }
0xb1: {  	_ =	task.clear_ibuf [dreg:s6], $0x5FFFF;
	_ =	strace $0x90000046  }
0xb2: {  	s29 =	simm.s32 $0x9;
	_ =	strace $0x80000048  }
0xb3: {  	_ =	swait.ge [sflag:s29], $0x1  }
0xb4: {  	[sflag:s29] =	ssyncadd.s32 $0xFFFFFFFF  }
0xb5: {  	_ =	strace $0x90000048  }
0xb6: {  	_ =	sfence  }
0xb7: {  	s30 =	sld [smem:$0x0];
	_ =	sdelay $0x2  }
0xb8: {  	s31 =	sshll.u32 s1, $0xD;
	s1 =	sshrl.u32 s1, $0x2  }
0xb9: {  	s3 =	sand.u32 $0x4000, s31;
	s1 =	sadd.s32 s1, s30  }
0xba: {  	s0 =	sor.u32 s3, s0;
	s1 =	sshll.u32 s1, $0x11  }
0xbb: {  	s0 =	sor.u32 s1, s0  }
0xbc: {  	s0 =	sadd.s32 $0x8F2B, s0  }
0xbd: {  	[sflag:s0] =	ssyncadd.remote.s32 $0x1  }
0xbe: {  	_ =	sfence.sel $0xFFFF  }
0xbf: {  	[dreg:$0x0] =	wrdreg $0xFFFFFFFF;
	(pc) =	sbr.abs _section_cstart, $3  }
0xc0: {  	[dreg:$0x1] =	wrdreg $0xFFFFFFFF  }
0xc1: {  	_ =	task.clear_ibuf [dreg:s6], $0x2FFFF;
	_ =	strace $0x9FFFFFFF  }
0xc2: {  	(tm) =	ssettm $0x7FFFFFFF  }
0xc3: {  	_ =	shalt  }
tec
execute0_lowered:
.L_overlay_start_1:
0x0: {  	(tag) =	ssettag $0x1  }
0x1: {  	s0 =	srdreg.scid;
	s6 =	rddreg [dreg:$0x0]  }
0x2: {  	s2 =	rddreg [dreg:$0x1];
	s3 =	simm.s32 $0x0;
	s17 =	simm.s32 $0x2900  }
0x3: {  	s18 =	simm.s32 $0x1;
	s5 =	sand.u32 $0x1, s0;
	s0 =	stileid.u32  }
0x4: {  	s19 =	simm.s32 $0x6900;
	s20 =	simm.s32 $0x2800;
	s8 =	smul.u32 $0x13C00, s0  }
0x5: {  	s21 =	simm.s32 $0x2880;
	s22 =	simm.s32 $0x0;
	s9 =	smul.u32 $0x13C000, s5  }
0x6: {  	[smem:$0x7FF] =	sst s3;
	s12 =	sadd.s32 $0xE200, s6;
	s25 =	smul.u32 $0x4F000, s0  }
0x7: {  	s1 =	sshll.u32 s5, $0x4;
	s26 =	ssub.s32 $0x2, s5;
	s13 =	smul.u32 $0x28000, s5  }
0x8: {  	s14 =	smul.u32 $0x2800, s0;
	s31 =	sshll.u32 s0, $0x6;
	s7 =	sor.u32 s0, s1  }
0x9: {  	s1 =	rddreg [dreg:$0x2];
	_ =	strace $0x80000047;
	s28 =	sshrl.u32 s26, $0x1  }
0xa: {  	s4 =	smul.u32 $0x500, s7;
	s11 =	sshrl.u32 s8, $0x3;
	s8 =	sadd.s32 s8, s9  }
0xb: {  	s7 =	smul.u32 $0x2800, s7;
	s15 =	ssub.s32 s26, s28;
	s29 =	sadd.s32 s14, s13  }
0xc: {  	s14 =	sor.u32 $0x1C02, s31;
	s24 =	sadd.s32 s11, s6;
	s8 =	sshrl.u32 s8, $0x3  }
0xd: {  	s11 =	sshrl.u32 s25, $0x2;
	s30 =	sor.u32 $0x100, s29;
	s9 =	smax.u32 s15, $0x1  }
0xe: {  	s13 =	sor.u32 $0x80, s29;
	s10 =	sadd.s32 s4, s6;
	s4 =	sadd.s32 $0x3FA00, s6  }
0xf: {  	s8 =	sadd.s32 s8, s6;
	s16 =	sadd.s32 s11, s2;
	s6 =	sadd.s32 $0x18200, s24  }
0x10: {  	s7 =	sshrl.u32 s7, $0x3;
	s11 =	sshrl.u32 s30, $0x3;
	s13 =	sshrl.u32 s13, $0x3  }
0x11: {  	s5 =	sadd.s32 $0x4200, s10;
	s7 =	sadd.s32 s12, s7;
	s8 =	sadd.s32 $0x66C00, s8  }
0x12: {  	s11 =	sadd.s32 s11, s12;
	s12 =	sadd.s32 s13, s12;
	s13 =	simm.s32 $0x2  }
0x13: {  	s15 =	sshrl.u32 s16, $0x3;
	s16 =	simm.s32 $0x80;
	s10 =	sadd.s32 $0x4F0, s7  }
.LBB2_1:
0x14: {  	s23 =	simm.s32 $0x100  }
0x15: {  	[tilespmem:s23], [sflag:$0x2] =	stream.linear.gather [hbm4b:s5+s3], $0x2800, $0x38;
	[tilespmem:$0x1E500] =	vst v63  }
0x16: {  	_ =	swait.ge [sflag:s13], $0x2800  }
0x17: {  	[sflag:s13] =	ssyncset.done $0x0  }
0x18: {  	[sflag:s13] =	ssyncadd.s32 $0xFFFFD800  }
0x19: {  	[spmem:s15], [sflag:s14] =	dma.local [hbm:s6], $0x2780  }
0x1a: {  	_ =	swait.ge [sflag:s13], $0x2780  }
0x1b: {  	[sflag:s13] =	ssyncset.done $0x0  }
0x1c: {  	[sflag:s13] =	ssyncadd.s32 $0xFFFFD880  }
0x1d: {  	[bflag:$0x0] =	sbarrier.arrive $0xFFFF  }
0x1e: {  	[tilespmem:s3], [sflag:$0x2] =	stream.linear.gather [hbm4b:s7+s3], $0x80, $0x38;
	[tilespmem:$0x1E500] =	vst v63  }
0x1f: {  	_ =	swait.ge [sflag:s13], $0x80  }
0x20: {  	[sflag:s13] =	ssyncset.done $0x0  }
0x21: {  	[sflag:s13] =	ssyncadd.s32 $0xFFFFFF80  }
0x22: {  	[tilespmem:s17], [sflag:$0x1] =	stream.indirect.gather [hbm4b:s4+s16], $0x80, s3, s16, $0xb8;
	[tilespmem:$0x1E500] =	vst v63  }
0x23: {  	s24 =	sadd.s32 $0x0, s12  }
0x24: {  	[tilespmem:s16], [sflag:$0x2] =	stream.linear.gather [hbm4b:s24+s3], $0x80, $0x38;
	[tilespmem:$0x1E500] =	vst v63  }
0x25: {  	_ =	swait.ge [sflag:s13], $0x80  }
0x26: {  	[sflag:s13] =	ssyncset.done $0x0  }
0x27: {  	[sflag:s13] =	ssyncadd.s32 $0xFFFFFF80  }
0x28: {  	_ =	swait.ge [sflag:s18], $0x4000  }
0x29: {  	[sflag:s18] =	ssyncset.done $0x0  }
0x2a: {  	[sflag:s18] =	ssyncadd.s32 $0xFFFFC000  }
0x2b: {  	[tilespmem:s19], [sflag:$0x1] =	stream.indirect.gather [hbm4b:s4+s16], $0x80, s16, s16, $0xb8;
	[tilespmem:$0x1E500] =	vst v63  }
0x2c: {  	_ = 	snop  }
0x2d: {  	[spmem:s2] =	stream.indirect.scatter.add.f32 [tilespmem:s17], [sflag:$0x2], $0x80, s23, s16, $0xb8;
	[tilespmem:$0x1E500] =	vst v63  }
0x2e: {  	_ =	swait.ge [sflag:s13], $0x4000  }
0x2f: {  	[sflag:s13] =	ssyncset.done $0x0  }
0x30: {  	s30 =	sadd.s32 $0x0, s11;
	[sflag:s13] =	ssyncadd.s32 $0xFFFFC000  }
0x31: {  	[tilespmem:s3], [sflag:$0x2] =	stream.linear.gather [hbm4b:s30+s3], $0x80, $0x38;
	[tilespmem:$0x1E500] =	vst v63  }
0x32: {  	_ =	swait.ge [sflag:s13], $0x80  }
0x33: {  	[sflag:s13] =	ssyncset.done $0x0  }
0x34: {  	[sflag:s13] =	ssyncadd.s32 $0xFFFFFF80  }
0x35: {  	_ =	swait.ge [sflag:s18], $0x4000  }
0x36: {  	[sflag:s18] =	ssyncset.done $0x0  }
0x37: {  	[sflag:s18] =	ssyncadd.s32 $0xFFFFC000  }
0x38: {  	[tilespmem:s17], [sflag:$0x1] =	stream.indirect.gather [hbm4b:s4+s16], $0x80, s3, s16, $0xb8;
	[tilespmem:$0x1E500] =	vst v63  }
0x39: {  	s31 =	simm.s32 $0x180  }
0x3a: {  	[spmem:s2] =	stream.indirect.scatter.add.f32 [tilespmem:s19], [sflag:$0x2], $0x80, s31, s16, $0xb8;
	[tilespmem:$0x1E500] =	vst v63  }
0x3b: {  	_ =	swait.ge [sflag:s13], $0x4000  }
0x3c: {  	s24 =	simm.s32 $0x20;
	[sflag:s13] =	ssyncset.done $0x0  }
.LBB2_2:
0x3d: {  	p0 =	sne.s32 s24, $0x4C0;
	[sflag:s13] =	ssyncadd.s32 $0xFFFFC000;
	s23 =	sadd.s32 $0x100, s23  }
0x3e: {  	s25 =	sadd.s32 s24, s12;
	s26 =	smov.u32 s24;
	s24 =	sadd.s32 $0x20, s24  }
0x3f: {  	[tilespmem:s16], [sflag:$0x2] =	stream.linear.gather [hbm4b:s25+s3], $0x80, $0x38;
	[tilespmem:$0x1E500] =	vst v63  }
0x40: {  	_ =	swait.ge [sflag:s13], $0x80  }
0x41: {  	[sflag:s13] =	ssyncset.done $0x0  }
0x42: {  	[sflag:s13] =	ssyncadd.s32 $0xFFFFFF80  }
0x43: {  	_ =	swait.ge [sflag:s18], $0x4000  }
0x44: {  	[sflag:s18] =	ssyncset.done $0x0  }
0x45: {  	[sflag:s18] =	ssyncadd.s32 $0xFFFFC000  }
0x46: {  	[tilespmem:s19], [sflag:$0x1] =	stream.indirect.gather [hbm4b:s4+s16], $0x80, s16, s16, $0xb8;
	[tilespmem:$0x1E500] =	vst v63  }
0x47: {  	_ = 	snop  }
0x48: {  	[spmem:s2] =	stream.indirect.scatter.add.f32 [tilespmem:s17], [sflag:$0x2], $0x80, s23, s16, $0xb8;
	[tilespmem:$0x1E500] =	vst v63  }
0x49: {  	_ =	swait.ge [sflag:s13], $0x4000  }
0x4a: {  	[sflag:s13] =	ssyncset.done $0x0  }
0x4b: {  	s25 =	sadd.s32 s26, s11;
	[sflag:s13] =	ssyncadd.s32 $0xFFFFC000  }
0x4c: {  	[tilespmem:s3], [sflag:$0x2] =	stream.linear.gather [hbm4b:s25+s3], $0x80, $0x38;
	[tilespmem:$0x1E500] =	vst v63  }
0x4d: {  	_ =	swait.ge [sflag:s13], $0x80  }
0x4e: {  	[sflag:s13] =	ssyncset.done $0x0  }
0x4f: {  	[sflag:s13] =	ssyncadd.s32 $0xFFFFFF80  }
0x50: {  	_ =	swait.ge [sflag:s18], $0x4000  }
0x51: {  	[sflag:s18] =	ssyncset.done $0x0  }
0x52: {  	[sflag:s18] =	ssyncadd.s32 $0xFFFFC000  }
0x53: {  	[tilespmem:s17], [sflag:$0x1] =	stream.indirect.gather [hbm4b:s4+s16], $0x80, s3, s16, $0xb8;
	[tilespmem:$0x1E500] =	vst v63  }
.Ltmp0:
0x54: {  	_ = 	snop;
	(pc) =	sbr.rel @p0 .LBB2_2-.Ltmp0, $4  }
0x55: {  	s25 =	sadd.s32 $0x80, s23  }
0x56: {  	[spmem:s2] =	stream.indirect.scatter.add.f32 [tilespmem:s19], [sflag:$0x2], $0x80, s25, s16, $0xb8;
	[tilespmem:$0x1E500] =	vst v63  }
0x57: {  	_ =	swait.ge [sflag:s13], $0x4000  }
0x58: {  	[sflag:s13] =	ssyncset.done $0x0  }
0x59: {  	[sflag:s13] =	ssyncadd.s32 $0xFFFFC000  }
0x5a: {  	[tilespmem:s16], [sflag:$0x2] =	stream.linear.gather [hbm4b:s10+s3], $0x80, $0x38;
	[tilespmem:$0x1E500] =	vst v63  }
0x5b: {  	_ =	swait.ge [sflag:s13], $0x80  }
0x5c: {  	[sflag:s13] =	ssyncset.done $0x0  }
0x5d: {  	[sflag:s13] =	ssyncadd.s32 $0xFFFFFF80  }
0x5e: {  	_ =	swait.ge [sflag:s18], $0x4000  }
0x5f: {  	[sflag:s18] =	ssyncset.done $0x0  }
0x60: {  	[sflag:s18] =	ssyncadd.s32 $0xFFFFC000  }
0x61: {  	[tilespmem:s19], [sflag:$0x1] =	stream.indirect.gather [hbm4b:s4+s16], $0x80, s16, s16, $0xb8;
	[tilespmem:$0x1E500] =	vst v63  }
0x62: {  	_ = 	snop  }
0x63: {  	[spmem:s2] =	stream.indirect.scatter.add.f32 [tilespmem:s17], [sflag:$0x2], $0x80, s20, s16, $0xb8;
	[tilespmem:$0x1E500] =	vst v63  }
0x64: {  	_ =	swait.ge [sflag:s13], $0x4000  }
0x65: {  	[sflag:s13] =	ssyncset.done $0x0  }
0x66: {  	[sflag:s13] =	ssyncadd.s32 $0xFFFFC000  }
0x67: {  	_ =	swait.ge [sflag:s18], $0x4000  }
0x68: {  	[sflag:s18] =	ssyncset.done $0x0  }
0x69: {  	[sflag:s18] =	ssyncadd.s32 $0xFFFFC000  }
0x6a: {  	[spmem:s2] =	stream.indirect.scatter.add.f32 [tilespmem:s19], [sflag:$0x2], $0x80, s21, s16, $0xb8;
	[tilespmem:$0x1E500] =	vst v63  }
0x6b: {  	_ =	swait.ge [sflag:s13], $0x4000  }
0x6c: {  	s22 =	sadd.s32 $0x1, s22;
	[sflag:s13] =	ssyncset.done $0x0  }
0x6d: {  	p0 =	sne.s32 s22, s9;
	[sflag:s13] =	ssyncadd.s32 $0xFFFFC000  }
.Ltmp1:
0x6e: {  	[bflag:$0x0] =	sbarrier.arrive $0xFFFF;
	(pc) =	sbr.rel @p0 .LBB2_1-.Ltmp1, $4  }
0x6f: {  	[hbm:s8], [sflag:s14] =	dma.local [spmem:s15], $0x2780  }
0x70: {  	_ =	swait.ge [sflag:s13], $0x2780  }
0x71: {  	[sflag:s13] =	ssyncset.done $0x0  }
0x72: {  	[sflag:s13] =	ssyncadd.s32 $0xFFFFD880  }
0x73: {  	_ =	sfence.sel $0x180000  }
0x74: {  	[bflag:$0x0] =	sbarrier.arrive $0xFFFF  }
0x75: {  	p0 =	sne.s32 s0, $0x0;
	_ =	strace $0x90000047  }
0x76: {  	s0 =	sadd.s32 @!p0 $0x100000, s1;
	[bflag:$0x2] =	sbarrier.arrive $0xFFFF  }
0x77: {  	[sflag:s0] =	ssyncadd.tile.s32 @!p0 $0x1;
	_ =	shalt  }
.Lfunc_end2:
_tile_overlayer_lowered:
.L_overlay_start_2:
0x78: {  	(tag) =	ssettag $0x2  }
0x79: {  	s0 =	rddreg [dreg:$0x0];
	s2 =	stileid.u32  }
0x7a: {  	s1 =	rddreg [dreg:$0x1];
	p0 =	sne.s32 s2, $0x0  }
0x7b: {  	s3 =	rddreg [dreg:$0x2];
	[bflag:$0x3] =	sbarrier.arrive $0xFFFF;
	s2 =	simm.s32 @!p0 $0x1C02  }
0x7c: {  	[timem:s3], [sflag:s2] =	dma.local @!p0 [hbm:s0], s1  }
0x7d: {  	s0 =	simm.s32 @!p0 $0x2  }
0x7e: {  	_ =	swait.ge @!p0 [sflag:s0], s1  }
0x7f: {  	s1 =	ssub.s32 @!p0 $0x0, s1;
	[sflag:s0] =	ssyncset.done @!p0 $0x0  }
0x80: {  	[sflag:s0] =	ssyncadd.s32 @!p0 s1  }
0x81: {  	[bflag:$0x3] =	sbarrier.arrive $0xFFFF  }
0x82: {  	_ =	shalt  }

</sc_bundles>
